<compile_context>
chip_gen: v7x
topology: tpu7x:2x2x1
jax: 0.10.2.dev20260603
libtpu: 0.0.44.dev20260713+nightly
codegen_flags: <defaults>
</compile_context>

<pallas_src>
import functools

import numpy as np

import jax
import jax.numpy as jnp
from jax import lax
from jax.experimental import pallas as pl
from jax.experimental.pallas import tpu as pltpu
from jax.experimental.pallas import tpu_sc as plsc

NC = 2
NS = 16
NW = NC * NS
LANES = 16


def _gram_body(x_ref, xe_ref, xo_ref, o_ref):
    j = pl.program_id(0)
    b_tile = x_ref[pl.ds(j * 128, 128), :]
    dn = (((1,), (1,)), ((), ()))
    oe = lax.dot_general(xe_ref[...], b_tile, dn,
                         preferred_element_type=jnp.float32)
    oo = lax.dot_general(xo_ref[...], b_tile, dn,
                         preferred_element_type=jnp.float32)
    half = jnp.int32(0x8000)
    be = lax.bitcast_convert_type(oe, jnp.int32) + half
    bo = lax.bitcast_convert_type(oo, jnp.int32) + half
    o_ref[...] = lax.bitcast_convert_type(lax.bitwise_or(
        lax.shift_right_logical(be, jnp.int32(16)),
        lax.bitwise_and(bo, jnp.int32(-65536)),
    ), jnp.uint32)


def _gram(xp, xe, xo):
    np_, d = xp.shape
    res = lambda j: (np.int32(0), np.int32(0))
    return pl.pallas_call(
        _gram_body,
        grid=(np_ // 128,),
        in_specs=[
            pl.BlockSpec((np_, d), res),
            pl.BlockSpec((np_ // 2, d), res),
            pl.BlockSpec((np_ // 2, d), res),
        ],
        out_specs=pl.BlockSpec((np_ // 2, 128), lambda j: (j, np.int32(0))),
        out_shape=jax.ShapeDtypeStruct((np_ * np_ // 256, 128), jnp.uint32),
    )(xp, xe, xo)


def _make_sc_gather(E, NP, num_neg):
    EW = E // NW
    mesh = plsc.VectorSubcoreMesh(
        core_axis_name="c", subcore_axis_name="s",
        num_cores=NC, num_subcores=NS,
    )

    @functools.partial(
        pl.kernel,
        out_type=[
            jax.ShapeDtypeStruct((E,), jnp.float32),
            jax.ShapeDtypeStruct((num_neg * E,), jnp.float32),
        ],
        mesh=mesh,
        scratch_types=(
            [pltpu.VMEM((EW,), jnp.uint32)]
            + [pltpu.VMEM((EW,), jnp.uint32)] * 3
            + [pltpu.VMEM((EW,), jnp.int32)] * 3
            + [pltpu.VMEM((EW,), jnp.uint32)] * 3
            + [pltpu.VMEM((EW,), jnp.float32)]
            + [pltpu.SemaphoreType.DMA] * 3
        ),
    )
    def sc_gather(ei0, ei1, negs, gflat, pos_out, neg_out,
                  ea, eb0, eb1, eb2, ix0, ix1, ix2, va0, va1, va2,
                  fvals, sem0, sem1, sem2):
        wid = lax.axis_index("s") * NC + lax.axis_index("c")
        base = wid * EW
        ebs = (eb0, eb1, eb2)
        idxs = (ix0, ix1, ix2)
        valss = (va0, va1, va2)
        sems = (sem0, sem1, sem2)
        pltpu.sync_copy(ei0.at[pl.ds(base, EW)], ea)

        tile_stride = jnp.uint32(NP * 64)
        c1 = jnp.uint32(1)
        c6 = jnp.uint32(6)
        c7 = jnp.uint32(7)
        c16 = jnp.uint32(16)
        c127 = jnp.uint32(127)
        chi = jnp.uint32(0xFFFF0000)
        cneg2 = jnp.uint32(0xFFFFFFFE)
        zero_u = jnp.uint32(0)
        nchunk = jnp.int32(EW // LANES)

        def make_idx(s):
            eb = ebs[s]
            idx = idxs[s]

            def compute_idx(i, c):
                sl = pl.ds(i * jnp.int32(LANES), LANES)
                a = ea[sl]
                b = eb[sl]
                idx[sl] = lax.bitcast_convert_type(
                    lax.shift_right_logical(b, c7) * tile_stride
                    + lax.shift_left(lax.bitwise_and(a, cneg2), c6)
                    + lax.bitwise_and(b, c127),
                    jnp.int32,
                )
                return c
            lax.fori_loop(jnp.int32(0), nchunk, compute_idx, jnp.int32(0))

        def drain(s, out_ref, out_off, desc):
            vals = valss[s]
            desc.wait()

            def unpack_vals(i, c):
                sl = pl.ds(i * jnp.int32(LANES), LANES)
                w = vals[sl]
                m = zero_u - lax.bitwise_and(ea[sl], c1)
                bits = lax.bitwise_or(
                    lax.bitwise_and(lax.bitwise_and(w, chi), m),
                    lax.bitwise_and(lax.shift_left(w, c16),
                                    lax.bitwise_not(m)),
                )
                fvals[sl] = lax.bitcast_convert_type(bits, jnp.float32)
                return c

            lax.fori_loop(jnp.int32(0), nchunk, unpack_vals, jnp.int32(0))
            pltpu.sync_copy(fvals, out_ref.at[pl.ds(out_off, EW)])

        stages = [(ei1, base, pos_out, base)] + [
            (negs, k * E + base, neg_out, k * E + base)
            for k in range(num_neg)
        ]
        inflight = [None] * 3
        for k, (src, src_off, out_ref, out_off) in enumerate(stages):
            s = k % 3
            if inflight[s] is not None:
                drain(s, *inflight[s])
            pltpu.sync_copy(src.at[pl.ds(src_off, EW)], ebs[s])
            make_idx(s)
            desc = pltpu.async_copy(gflat.at[idxs[s]], valss[s], sems[s])
            inflight[s] = (out_ref, out_off, desc)
        for k in range(3):
            s = (len(stages) + k) % 3
            if inflight[s] is not None:
                drain(s, *inflight[s])
                inflight[s] = None

    return sc_gather


def _loss_body(inv_total_ref, pos_ref, neg_ref, o_ref):
    p = pos_ref[...]
    n = neg_ref[...]
    sp = jnp.sum(jnp.maximum(-p, 0.0) + jnp.log1p(jnp.exp(-jnp.abs(p))))
    sn = jnp.sum(jnp.maximum(n, 0.0) + jnp.log1p(jnp.exp(-jnp.abs(n))))
    o_ref[0, 0] = (sp + sn) * inv_total_ref[0]


def _loss(pos2d, neg2d, inv_total):
    return pl.pallas_call(
        _loss_body,
        in_specs=[
            pl.BlockSpec(memory_space=pltpu.SMEM),
            pl.BlockSpec(pos2d.shape, lambda: (0, 0)),
            pl.BlockSpec(neg2d.shape, lambda: (0, 0)),
        ],
        out_specs=pl.BlockSpec(memory_space=pltpu.SMEM),
        out_shape=jax.ShapeDtypeStruct((1, 1), jnp.float32),
    )(inv_total, pos2d, neg2d)


def kernel(x, edge_index, neg_edge_index):
    n, d = x.shape
    E = edge_index.shape[1]
    num_neg = neg_edge_index.shape[0]
    NP = ((n + 255) // 256) * 256

    xp = jnp.pad(x.astype(jnp.bfloat16), ((0, NP - n), (0, 0)))
    g = _gram(xp, xp[0::2], xp[1::2])
    gflat = g.reshape(NP * NP // 2)

    eiu = edge_index.astype(jnp.uint32)
    ei0 = eiu[0]
    ei1 = eiu[1]
    negs = neg_edge_index.astype(jnp.uint32).reshape(num_neg * E)

    pos, neg = _make_sc_gather(E, NP, num_neg)(ei0, ei1, negs, gflat)

    inv_total = jnp.full((1,), 1.0 / ((1 + num_neg) * E), dtype=jnp.float32)
    loss = _loss(
        pos.reshape(E // 128, 128),
        neg.reshape(num_neg * E // 128, 128),
        inv_total,
    )
    return loss[0, 0]

# --- scband reference (transcript-rebuilt; emitter-appended) ---
"""Pipeline reference for scband-negloss-13159779795490 (READ-ONLY COPY).

The authoritative reference and input builder live on the scoring server;
editing this copy changes nothing except your own understanding.
"""

import jax, jax.numpy as jnp
import numpy as np

jax.config.update("jax_enable_x64", True)

N = 10000
D = 128
E = 320000
NUM_NEG = 5


def setup_inputs(seed: int = 0) -> dict:
    key = jax.random.key(seed)
    k1, k2, k3 = jax.random.split(key, 3)
    x = jax.random.normal(k1, (N, D), dtype=jnp.float32)
    edge_index = jax.random.randint(k2, (2, E), 0, N, dtype=jnp.int64)
    # neg_edge_index is produced at module __init__ via structured_negative_sampling;
    # it is a constant int buffer of shape [num_negative_samples, E] with values in [0, N)
    neg_edge_index = jax.random.randint(k3, (NUM_NEG, E), 0, N, dtype=jnp.int64)
    return {"x": x, "edge_index": edge_index, "neg_edge_index": neg_edge_index}


def reference(x, edge_index, neg_edge_index):
    num_neg = neg_edge_index.shape[0]
    d = x.shape[1]
    # gather endpoint embeddings for positive edges
    v_i = jnp.take(x, edge_index[0], axis=0)            # [E, d]
    nei_v_i = jnp.take(x, edge_index[1], axis=0)        # [E, d]
    pos = jnp.sum(v_i * nei_v_i, axis=1)                # [E]
    # torch: v_i.repeat(1, num_neg).reshape(-1, d) == row-wise repeat
    tv_i = jnp.repeat(v_i, num_neg, axis=0)             # [E*num_neg, d]
    # x[neg_edge_index.T] -> [E, num_neg, d] -> reshape(-1, d)
    neg_v_i = jnp.take(x, jnp.transpose(neg_edge_index, (1, 0)), axis=0).reshape(-1, d)
    neg = jnp.sum(tv_i * neg_v_i, axis=1)               # [E*num_neg]
    logits = jnp.concatenate((pos, neg))
    targets = jnp.concatenate((jnp.ones_like(pos), jnp.zeros_like(neg)))
    # BCEWithLogitsLoss (mean reduction), numerically stable form
    loss = jnp.mean(jnp.maximum(logits, 0.0) - logits * targets + jnp.log1p(jnp.exp(-jnp.abs(logits))))
    return loss

if __name__ == "__main__":
    import jax
    _d = setup_inputs()
    print(jax.jit(kernel)(*tuple(_d.values())))

</pallas_src>

<mosaic_0001>
#map = affine_map<(d0, d1) -> (0)>
module attributes {stable_mosaic.version = 14 : i64} {
  func.func @sc_gather(%arg0: i32, %arg1: i32, %arg2: memref<320000xi32, #tpu.memory_space<hbm>>, %arg3: memref<320000xi32, #tpu.memory_space<hbm>>, %arg4: memref<1600000xi32, #tpu.memory_space<hbm>>, %arg5: memref<52428800xi32, #tpu.memory_space<hbm>>, %arg6: memref<320000xf32, #tpu.memory_space<hbm>>, %arg7: memref<1600000xf32, #tpu.memory_space<hbm>>, %arg8: memref<10000xi32, #tpu.memory_space<vmem>>, %arg9: memref<10000xi32, #tpu.memory_space<vmem>>, %arg10: memref<10000xi32, #tpu.memory_space<vmem>>, %arg11: memref<10000xi32, #tpu.memory_space<vmem>>, %arg12: memref<10000xi32, #tpu.memory_space<vmem>>, %arg13: memref<10000xi32, #tpu.memory_space<vmem>>, %arg14: memref<10000xi32, #tpu.memory_space<vmem>>, %arg15: memref<10000xi32, #tpu.memory_space<vmem>>, %arg16: memref<10000xi32, #tpu.memory_space<vmem>>, %arg17: memref<10000xi32, #tpu.memory_space<vmem>>, %arg18: memref<10000xf32, #tpu.memory_space<vmem>>, %arg19: memref<!tpu.dma_semaphore, #tpu.memory_space<semaphore_mem>>, %arg20: memref<!tpu.dma_semaphore, #tpu.memory_space<semaphore_mem>>, %arg21: memref<!tpu.dma_semaphore, #tpu.memory_space<semaphore_mem>>) attributes {dimension_semantics = [#tpu.dimension_semantics<core_parallel>, #tpu.dimension_semantics<subcore_parallel>], iteration_bounds = array<i64: 2, 16>, scalar_prefetch = 0 : i64, scratch_operands = 14 : i64, tpu.core_type = #tpu.core_type<sc_vector_subcore>, window_params = [{transform_indices = #map}, {transform_indices = #map}, {transform_indices = #map}, {transform_indices = #map}, {transform_indices = #map}, {transform_indices = #map}]} {
    %mul3A = arith.constant 2 : i32
    %mul3A_0 = arith.muli %arg1, %mul3A : i32
    %add3A = arith.addi %mul3A_0, %arg0 : i32
    %mul3A_1 = arith.constant 10000 : i32
    %mul3A_2 = arith.muli %add3A, %mul3A_1 : i32
    "tpu.region"() ({
      %run_scoped3A = tpu.sem_alloc : memref<!tpu.dma_semaphore, #tpu.memory_space<semaphore_mem>>
      %dma_start3A_230 = tpu.memref_slice %arg2[%mul3A_2] : memref<320000xi32, #tpu.memory_space<hbm>> -> memref<10000xi32, #tpu.memory_space<hbm>>
      %dma_start3A_231 = tpu.memref_slice %arg2[%mul3A_2] : memref<320000xi32, #tpu.memory_space<hbm>> -> memref<10000xi32, #tpu.memory_space<hbm>>
      tpu.enqueue_dma source(%dma_start3A_231 : memref<10000xi32, #tpu.memory_space<hbm>>) target(%arg8 : memref<10000xi32, #tpu.memory_space<vmem>>) target_semaphore(%run_scoped3A : memref<!tpu.dma_semaphore, #tpu.memory_space<semaphore_mem>>)
      %dma_wait3A_232 = tpu.memref_slice %arg2[%mul3A_2] : memref<320000xi32, #tpu.memory_space<hbm>> -> memref<10000xi32, #tpu.memory_space<hbm>>
      %dma_wait3A_233 = tpu.memref_slice %arg2[%mul3A_2] : memref<320000xi32, #tpu.memory_space<hbm>> -> memref<10000xi32, #tpu.memory_space<hbm>>
      tpu.wait_dma2 semaphore(%run_scoped3A : memref<!tpu.dma_semaphore, #tpu.memory_space<semaphore_mem>>) src(%dma_wait3A_233 : memref<10000xi32, #tpu.memory_space<hbm>>) dst(%arg8 : memref<10000xi32, #tpu.memory_space<vmem>>)
      tpu.yield
    }) : () -> ()
    %add3A_3 = arith.constant 0 : i32
    %add3A_4 = arith.addi %add3A_3, %mul3A_2 : i32
    %add3A_5 = arith.constant 0 : i32
    %add3A_6 = arith.addi %add3A_5, %mul3A_2 : i32
    %add3A_7 = arith.constant 320000 : i32
    %add3A_8 = arith.addi %add3A_7, %mul3A_2 : i32
    %add3A_9 = arith.constant 320000 : i32
    %add3A_10 = arith.addi %add3A_9, %mul3A_2 : i32
    %add3A_11 = arith.constant 640000 : i32
    %add3A_12 = arith.addi %add3A_11, %mul3A_2 : i32
    %add3A_13 = arith.constant 640000 : i32
    %add3A_14 = arith.addi %add3A_13, %mul3A_2 : i32
    %add3A_15 = arith.constant 960000 : i32
    %add3A_16 = arith.addi %add3A_15, %mul3A_2 : i32
    %add3A_17 = arith.constant 960000 : i32
    %add3A_18 = arith.addi %add3A_17, %mul3A_2 : i32
    %add3A_19 = arith.constant 1280000 : i32
    %add3A_20 = arith.addi %add3A_19, %mul3A_2 : i32
    %add3A_21 = arith.constant 1280000 : i32
    %add3A_22 = arith.addi %add3A_21, %mul3A_2 : i32
    "tpu.region"() ({
      %run_scoped3A = tpu.sem_alloc : memref<!tpu.dma_semaphore, #tpu.memory_space<semaphore_mem>>
      %dma_start3A_230 = tpu.memref_slice %arg3[%mul3A_2] : memref<320000xi32, #tpu.memory_space<hbm>> -> memref<10000xi32, #tpu.memory_space<hbm>>
      %dma_start3A_231 = tpu.memref_slice %arg3[%mul3A_2] : memref<320000xi32, #tpu.memory_space<hbm>> -> memref<10000xi32, #tpu.memory_space<hbm>>
      tpu.enqueue_dma source(%dma_start3A_231 : memref<10000xi32, #tpu.memory_space<hbm>>) target(%arg9 : memref<10000xi32, #tpu.memory_space<vmem>>) target_semaphore(%run_scoped3A : memref<!tpu.dma_semaphore, #tpu.memory_space<semaphore_mem>>)
      %dma_wait3A_232 = tpu.memref_slice %arg3[%mul3A_2] : memref<320000xi32, #tpu.memory_space<hbm>> -> memref<10000xi32, #tpu.memory_space<hbm>>
      %dma_wait3A_233 = tpu.memref_slice %arg3[%mul3A_2] : memref<320000xi32, #tpu.memory_space<hbm>> -> memref<10000xi32, #tpu.memory_space<hbm>>
      tpu.wait_dma2 semaphore(%run_scoped3A : memref<!tpu.dma_semaphore, #tpu.memory_space<semaphore_mem>>) src(%dma_wait3A_233 : memref<10000xi32, #tpu.memory_space<hbm>>) dst(%arg9 : memref<10000xi32, #tpu.memory_space<vmem>>)
      tpu.yield
    }) : () -> ()
    %while3A = arith.constant 0 : i32
    %while3A_23 = arith.constant 7 : i32
    %while3A_24 = arith.constant 655360 : i32
    %while3A_25 = arith.constant -2 : i32
    %while3A_26 = arith.constant 6 : i32
    %while3A_27 = arith.constant 127 : i32
    %while3A_28 = arith.constant 0 : i32
    %while3A_29 = arith.constant 625 : i32
    %while3A_30 = arith.subi %while3A_29, %while3A_28 : i32
    %while3A_31 = arith.addi %while3A_28, %while3A_30 : i32
    %while3A_32 = arith.constant 1 : i32
    %while3A_33 = arith.divsi %while3A_30, %while3A_32 : i32
    %while3A_34 = arith.muli %while3A_33, %while3A_32 : i32
    %while3A_35 = arith.addi %while3A_28, %while3A_34 : i32
    %while3A_36 = arith.constant 1 : i32
    scf.for %while3A_230 = %while3A_28 to %while3A_35 step %while3A_36  : i32 {
      %mul3A_231 = arith.constant 16 : i32
      %mul3A_232 = arith.muli %while3A_230, %mul3A_231 : i32
      %get3A = arith.index_cast %mul3A_232 : i32 to index
      %get3A_233 = tpu.vector_load %arg8[%get3A] {strides = array<i32>} : memref<10000xi32, #tpu.memory_space<vmem>>, vector<16xi32>,
      %get3A_234 = vector.shape_cast %get3A_233 : vector<16xi32> to vector<16xi32>
      %get3A_235 = arith.index_cast %mul3A_232 : i32 to index
      %get3A_236 = tpu.vector_load %arg9[%get3A_235] {strides = array<i32>} : memref<10000xi32, #tpu.memory_space<vmem>>, vector<16xi32>,
      %get3A_237 = vector.shape_cast %get3A_236 : vector<16xi32> to vector<16xi32>
      %shift_right_logical3A = vector.broadcast %while3A_23 : i32 to vector<16xi32>
      %shift_right_logical3A_238 = arith.shrui %get3A_237, %shift_right_logical3A : vector<16xi32>
      %mul3A_239 = vector.broadcast %while3A_24 : i32 to vector<16xi32>
      %mul3A_240 = arith.muli %shift_right_logical3A_238, %mul3A_239 : vector<16xi32>
      %and3A = vector.broadcast %while3A_25 : i32 to vector<16xi32>
      %and3A_241 = arith.andi %get3A_234, %and3A : vector<16xi32>
      %shift_left3A = vector.broadcast %while3A_26 : i32 to vector<16xi32>
      %shift_left3A_242 = arith.shli %and3A_241, %shift_left3A : vector<16xi32>
      %add3A_243 = arith.addi %mul3A_240, %shift_left3A_242 : vector<16xi32>
      %and3A_244 = vector.broadcast %while3A_27 : i32 to vector<16xi32>
      %and3A_245 = arith.andi %get3A_237, %and3A_244 : vector<16xi32>
      %add3A_246 = arith.addi %add3A_243, %and3A_245 : vector<16xi32>
      %bitcast_convert_type3A = tpu.bitcast %add3A_246 : vector<16xi32> -> vector<16xi32>
      %swap3A = arith.index_cast %mul3A_232 : i32 to index
      %swap3A_247 = tpu.vector_load %arg12[%swap3A] {strides = array<i32>} : memref<10000xi32, #tpu.memory_space<vmem>>, vector<16xi32>,
      %swap3A_248 = vector.shape_cast %swap3A_247 : vector<16xi32> to vector<16xi32>
      %swap3A_249 = vector.shape_cast %bitcast_convert_type3A : vector<16xi32> to vector<16xi32>
      tpu.vector_store %arg12[%swap3A], %swap3A_249 {strides = array<i32>} : memref<10000xi32, #tpu.memory_space<vmem>>, vector<16xi32>,
    }
    %while3A_37 = arith.constant 1 : i32
    scf.for %while3A_230 = %while3A_35 to %while3A_31 step %while3A_37  : i32 {
      %mul3A_231 = arith.constant 16 : i32
      %mul3A_232 = arith.muli %while3A_230, %mul3A_231 : i32
      %get3A = arith.index_cast %mul3A_232 : i32 to index
      %get3A_233 = tpu.vector_load %arg8[%get3A] {strides = array<i32>} : memref<10000xi32, #tpu.memory_space<vmem>>, vector<16xi32>,
      %get3A_234 = vector.shape_cast %get3A_233 : vector<16xi32> to vector<16xi32>
      %get3A_235 = arith.index_cast %mul3A_232 : i32 to index
      %get3A_236 = tpu.vector_load %arg9[%get3A_235] {strides = array<i32>} : memref<10000xi32, #tpu.memory_space<vmem>>, vector<16xi32>,
      %get3A_237 = vector.shape_cast %get3A_236 : vector<16xi32> to vector<16xi32>
      %shift_right_logical3A = vector.broadcast %while3A_23 : i32 to vector<16xi32>
      %shift_right_logical3A_238 = arith.shrui %get3A_237, %shift_right_logical3A : vector<16xi32>
      %mul3A_239 = vector.broadcast %while3A_24 : i32 to vector<16xi32>
      %mul3A_240 = arith.muli %shift_right_logical3A_238, %mul3A_239 : vector<16xi32>
      %and3A = vector.broadcast %while3A_25 : i32 to vector<16xi32>
      %and3A_241 = arith.andi %get3A_234, %and3A : vector<16xi32>
      %shift_left3A = vector.broadcast %while3A_26 : i32 to vector<16xi32>
      %shift_left3A_242 = arith.shli %and3A_241, %shift_left3A : vector<16xi32>
      %add3A_243 = arith.addi %mul3A_240, %shift_left3A_242 : vector<16xi32>
      %and3A_244 = vector.broadcast %while3A_27 : i32 to vector<16xi32>
      %and3A_245 = arith.andi %get3A_237, %and3A_244 : vector<16xi32>
      %add3A_246 = arith.addi %add3A_243, %and3A_245 : vector<16xi32>
      %bitcast_convert_type3A = tpu.bitcast %add3A_246 : vector<16xi32> -> vector<16xi32>
      %swap3A = arith.index_cast %mul3A_232 : i32 to index
      %swap3A_247 = tpu.vector_load %arg12[%swap3A] {strides = array<i32>} : memref<10000xi32, #tpu.memory_space<vmem>>, vector<16xi32>,
      %swap3A_248 = vector.shape_cast %swap3A_247 : vector<16xi32> to vector<16xi32>
      %swap3A_249 = vector.shape_cast %bitcast_convert_type3A : vector<16xi32> to vector<16xi32>
      tpu.vector_store %arg12[%swap3A], %swap3A_249 {strides = array<i32>} : memref<10000xi32, #tpu.memory_space<vmem>>, vector<16xi32>,
    }
    %dma_start3A = arith.constant 0 : i32
    %dma_start3A_38 = tpu.memref_slice %arg5[%dma_start3A] : memref<52428800xi32, #tpu.memory_space<hbm>> -> memref<52428800xi32, #tpu.memory_space<hbm>>
    tpu.enqueue_indirect_dma source(%dma_start3A_38 : memref<52428800xi32, #tpu.memory_space<hbm>>) target(%arg15 : memref<10000xi32, #tpu.memory_space<vmem>>) offsets(%arg12 : memref<10000xi32, #tpu.memory_space<vmem>>) semaphore(%arg19 : memref<!tpu.dma_semaphore, #tpu.memory_space<semaphore_mem>>)
    "tpu.region"() ({
      %run_scoped3A = tpu.sem_alloc : memref<!tpu.dma_semaphore, #tpu.memory_space<semaphore_mem>>
      %dma_start3A_230 = tpu.memref_slice %arg4[%add3A_4] : memref<1600000xi32, #tpu.memory_space<hbm>> -> memref<10000xi32, #tpu.memory_space<hbm>>
      %dma_start3A_231 = tpu.memref_slice %arg4[%add3A_4] : memref<1600000xi32, #tpu.memory_space<hbm>> -> memref<10000xi32, #tpu.memory_space<hbm>>
      tpu.enqueue_dma source(%dma_start3A_231 : memref<10000xi32, #tpu.memory_space<hbm>>) target(%arg10 : memref<10000xi32, #tpu.memory_space<vmem>>) target_semaphore(%run_scoped3A : memref<!tpu.dma_semaphore, #tpu.memory_space<semaphore_mem>>)
      %dma_wait3A_232 = tpu.memref_slice %arg4[%add3A_4] : memref<1600000xi32, #tpu.memory_space<hbm>> -> memref<10000xi32, #tpu.memory_space<hbm>>
      %dma_wait3A_233 = tpu.memref_slice %arg4[%add3A_4] : memref<1600000xi32, #tpu.memory_space<hbm>> -> memref<10000xi32, #tpu.memory_space<hbm>>
      tpu.wait_dma2 semaphore(%run_scoped3A : memref<!tpu.dma_semaphore, #tpu.memory_space<semaphore_mem>>) src(%dma_wait3A_233 : memref<10000xi32, #tpu.memory_space<hbm>>) dst(%arg10 : memref<10000xi32, #tpu.memory_space<vmem>>)
      tpu.yield
    }) : () -> ()
    %while3A_39 = arith.constant 0 : i32
    %while3A_40 = arith.constant 7 : i32
    %while3A_41 = arith.constant 655360 : i32
    %while3A_42 = arith.constant -2 : i32
    %while3A_43 = arith.constant 6 : i32
    %while3A_44 = arith.constant 127 : i32
    %while3A_45 = arith.constant 0 : i32
    %while3A_46 = arith.constant 625 : i32
    %while3A_47 = arith.subi %while3A_46, %while3A_45 : i32
    %while3A_48 = arith.addi %while3A_45, %while3A_47 : i32
    %while3A_49 = arith.constant 1 : i32
    %while3A_50 = arith.divsi %while3A_47, %while3A_49 : i32
    %while3A_51 = arith.muli %while3A_50, %while3A_49 : i32
    %while3A_52 = arith.addi %while3A_45, %while3A_51 : i32
    %while3A_53 = arith.constant 1 : i32
    scf.for %while3A_230 = %while3A_45 to %while3A_52 step %while3A_53  : i32 {
      %mul3A_231 = arith.constant 16 : i32
      %mul3A_232 = arith.muli %while3A_230, %mul3A_231 : i32
      %get3A = arith.index_cast %mul3A_232 : i32 to index
      %get3A_233 = tpu.vector_load %arg8[%get3A] {strides = array<i32>} : memref<10000xi32, #tpu.memory_space<vmem>>, vector<16xi32>,
      %get3A_234 = vector.shape_cast %get3A_233 : vector<16xi32> to vector<16xi32>
      %get3A_235 = arith.index_cast %mul3A_232 : i32 to index
      %get3A_236 = tpu.vector_load %arg10[%get3A_235] {strides = array<i32>} : memref<10000xi32, #tpu.memory_space<vmem>>, vector<16xi32>,
      %get3A_237 = vector.shape_cast %get3A_236 : vector<16xi32> to vector<16xi32>
      %shift_right_logical3A = vector.broadcast %while3A_40 : i32 to vector<16xi32>
      %shift_right_logical3A_238 = arith.shrui %get3A_237, %shift_right_logical3A : vector<16xi32>
      %mul3A_239 = vector.broadcast %while3A_41 : i32 to vector<16xi32>
      %mul3A_240 = arith.muli %shift_right_logical3A_238, %mul3A_239 : vector<16xi32>
      %and3A = vector.broadcast %while3A_42 : i32 to vector<16xi32>
      %and3A_241 = arith.andi %get3A_234, %and3A : vector<16xi32>
      %shift_left3A = vector.broadcast %while3A_43 : i32 to vector<16xi32>
      %shift_left3A_242 = arith.shli %and3A_241, %shift_left3A : vector<16xi32>
      %add3A_243 = arith.addi %mul3A_240, %shift_left3A_242 : vector<16xi32>
      %and3A_244 = vector.broadcast %while3A_44 : i32 to vector<16xi32>
      %and3A_245 = arith.andi %get3A_237, %and3A_244 : vector<16xi32>
      %add3A_246 = arith.addi %add3A_243, %and3A_245 : vector<16xi32>
      %bitcast_convert_type3A = tpu.bitcast %add3A_246 : vector<16xi32> -> vector<16xi32>
      %swap3A = arith.index_cast %mul3A_232 : i32 to index
      %swap3A_247 = tpu.vector_load %arg13[%swap3A] {strides = array<i32>} : memref<10000xi32, #tpu.memory_space<vmem>>, vector<16xi32>,
      %swap3A_248 = vector.shape_cast %swap3A_247 : vector<16xi32> to vector<16xi32>
      %swap3A_249 = vector.shape_cast %bitcast_convert_type3A : vector<16xi32> to vector<16xi32>
      tpu.vector_store %arg13[%swap3A], %swap3A_249 {strides = array<i32>} : memref<10000xi32, #tpu.memory_space<vmem>>, vector<16xi32>,
    }
    %while3A_54 = arith.constant 1 : i32
    scf.for %while3A_230 = %while3A_52 to %while3A_48 step %while3A_54  : i32 {
      %mul3A_231 = arith.constant 16 : i32
      %mul3A_232 = arith.muli %while3A_230, %mul3A_231 : i32
      %get3A = arith.index_cast %mul3A_232 : i32 to index
      %get3A_233 = tpu.vector_load %arg8[%get3A] {strides = array<i32>} : memref<10000xi32, #tpu.memory_space<vmem>>, vector<16xi32>,
      %get3A_234 = vector.shape_cast %get3A_233 : vector<16xi32> to vector<16xi32>
      %get3A_235 = arith.index_cast %mul3A_232 : i32 to index
      %get3A_236 = tpu.vector_load %arg10[%get3A_235] {strides = array<i32>} : memref<10000xi32, #tpu.memory_space<vmem>>, vector<16xi32>,
      %get3A_237 = vector.shape_cast %get3A_236 : vector<16xi32> to vector<16xi32>
      %shift_right_logical3A = vector.broadcast %while3A_40 : i32 to vector<16xi32>
      %shift_right_logical3A_238 = arith.shrui %get3A_237, %shift_right_logical3A : vector<16xi32>
      %mul3A_239 = vector.broadcast %while3A_41 : i32 to vector<16xi32>
      %mul3A_240 = arith.muli %shift_right_logical3A_238, %mul3A_239 : vector<16xi32>
      %and3A = vector.broadcast %while3A_42 : i32 to vector<16xi32>
      %and3A_241 = arith.andi %get3A_234, %and3A : vector<16xi32>
      %shift_left3A = vector.broadcast %while3A_43 : i32 to vector<16xi32>
      %shift_left3A_242 = arith.shli %and3A_241, %shift_left3A : vector<16xi32>
      %add3A_243 = arith.addi %mul3A_240, %shift_left3A_242 : vector<16xi32>
      %and3A_244 = vector.broadcast %while3A_44 : i32 to vector<16xi32>
      %and3A_245 = arith.andi %get3A_237, %and3A_244 : vector<16xi32>
      %add3A_246 = arith.addi %add3A_243, %and3A_245 : vector<16xi32>
      %bitcast_convert_type3A = tpu.bitcast %add3A_246 : vector<16xi32> -> vector<16xi32>
      %swap3A = arith.index_cast %mul3A_232 : i32 to index
      %swap3A_247 = tpu.vector_load %arg13[%swap3A] {strides = array<i32>} : memref<10000xi32, #tpu.memory_space<vmem>>, vector<16xi32>,
      %swap3A_248 = vector.shape_cast %swap3A_247 : vector<16xi32> to vector<16xi32>
      %swap3A_249 = vector.shape_cast %bitcast_convert_type3A : vector<16xi32> to vector<16xi32>
      tpu.vector_store %arg13[%swap3A], %swap3A_249 {strides = array<i32>} : memref<10000xi32, #tpu.memory_space<vmem>>, vector<16xi32>,
    }
    %dma_start3A_55 = arith.constant 0 : i32
    %dma_start3A_56 = tpu.memref_slice %arg5[%dma_start3A_55] : memref<52428800xi32, #tpu.memory_space<hbm>> -> memref<52428800xi32, #tpu.memory_space<hbm>>
    tpu.enqueue_indirect_dma source(%dma_start3A_56 : memref<52428800xi32, #tpu.memory_space<hbm>>) target(%arg16 : memref<10000xi32, #tpu.memory_space<vmem>>) offsets(%arg13 : memref<10000xi32, #tpu.memory_space<vmem>>) semaphore(%arg20 : memref<!tpu.dma_semaphore, #tpu.memory_space<semaphore_mem>>)
    "tpu.region"() ({
      %run_scoped3A = tpu.sem_alloc : memref<!tpu.dma_semaphore, #tpu.memory_space<semaphore_mem>>
      %dma_start3A_230 = tpu.memref_slice %arg4[%add3A_8] : memref<1600000xi32, #tpu.memory_space<hbm>> -> memref<10000xi32, #tpu.memory_space<hbm>>
      %dma_start3A_231 = tpu.memref_slice %arg4[%add3A_8] : memref<1600000xi32, #tpu.memory_space<hbm>> -> memref<10000xi32, #tpu.memory_space<hbm>>
      tpu.enqueue_dma source(%dma_start3A_231 : memref<10000xi32, #tpu.memory_space<hbm>>) target(%arg11 : memref<10000xi32, #tpu.memory_space<vmem>>) target_semaphore(%run_scoped3A : memref<!tpu.dma_semaphore, #tpu.memory_space<semaphore_mem>>)
      %dma_wait3A_232 = tpu.memref_slice %arg4[%add3A_8] : memref<1600000xi32, #tpu.memory_space<hbm>> -> memref<10000xi32, #tpu.memory_space<hbm>>
      %dma_wait3A_233 = tpu.memref_slice %arg4[%add3A_8] : memref<1600000xi32, #tpu.memory_space<hbm>> -> memref<10000xi32, #tpu.memory_space<hbm>>
      tpu.wait_dma2 semaphore(%run_scoped3A : memref<!tpu.dma_semaphore, #tpu.memory_space<semaphore_mem>>) src(%dma_wait3A_233 : memref<10000xi32, #tpu.memory_space<hbm>>) dst(%arg11 : memref<10000xi32, #tpu.memory_space<vmem>>)
      tpu.yield
    }) : () -> ()
    %while3A_57 = arith.constant 0 : i32
    %while3A_58 = arith.constant 7 : i32
    %while3A_59 = arith.constant 655360 : i32
    %while3A_60 = arith.constant -2 : i32
    %while3A_61 = arith.constant 6 : i32
    %while3A_62 = arith.constant 127 : i32
    %while3A_63 = arith.constant 0 : i32
    %while3A_64 = arith.constant 625 : i32
    %while3A_65 = arith.subi %while3A_64, %while3A_63 : i32
    %while3A_66 = arith.addi %while3A_63, %while3A_65 : i32
    %while3A_67 = arith.constant 1 : i32
    %while3A_68 = arith.divsi %while3A_65, %while3A_67 : i32
    %while3A_69 = arith.muli %while3A_68, %while3A_67 : i32
    %while3A_70 = arith.addi %while3A_63, %while3A_69 : i32
    %while3A_71 = arith.constant 1 : i32
    scf.for %while3A_230 = %while3A_63 to %while3A_70 step %while3A_71  : i32 {
      %mul3A_231 = arith.constant 16 : i32
      %mul3A_232 = arith.muli %while3A_230, %mul3A_231 : i32
      %get3A = arith.index_cast %mul3A_232 : i32 to index
      %get3A_233 = tpu.vector_load %arg8[%get3A] {strides = array<i32>} : memref<10000xi32, #tpu.memory_space<vmem>>, vector<16xi32>,
      %get3A_234 = vector.shape_cast %get3A_233 : vector<16xi32> to vector<16xi32>
      %get3A_235 = arith.index_cast %mul3A_232 : i32 to index
      %get3A_236 = tpu.vector_load %arg11[%get3A_235] {strides = array<i32>} : memref<10000xi32, #tpu.memory_space<vmem>>, vector<16xi32>,
      %get3A_237 = vector.shape_cast %get3A_236 : vector<16xi32> to vector<16xi32>
      %shift_right_logical3A = vector.broadcast %while3A_58 : i32 to vector<16xi32>
      %shift_right_logical3A_238 = arith.shrui %get3A_237, %shift_right_logical3A : vector<16xi32>
      %mul3A_239 = vector.broadcast %while3A_59 : i32 to vector<16xi32>
      %mul3A_240 = arith.muli %shift_right_logical3A_238, %mul3A_239 : vector<16xi32>
      %and3A = vector.broadcast %while3A_60 : i32 to vector<16xi32>
      %and3A_241 = arith.andi %get3A_234, %and3A : vector<16xi32>
      %shift_left3A = vector.broadcast %while3A_61 : i32 to vector<16xi32>
      %shift_left3A_242 = arith.shli %and3A_241, %shift_left3A : vector<16xi32>
      %add3A_243 = arith.addi %mul3A_240, %shift_left3A_242 : vector<16xi32>
      %and3A_244 = vector.broadcast %while3A_62 : i32 to vector<16xi32>
      %and3A_245 = arith.andi %get3A_237, %and3A_244 : vector<16xi32>
      %add3A_246 = arith.addi %add3A_243, %and3A_245 : vector<16xi32>
      %bitcast_convert_type3A = tpu.bitcast %add3A_246 : vector<16xi32> -> vector<16xi32>
      %swap3A = arith.index_cast %mul3A_232 : i32 to index
      %swap3A_247 = tpu.vector_load %arg14[%swap3A] {strides = array<i32>} : memref<10000xi32, #tpu.memory_space<vmem>>, vector<16xi32>,
      %swap3A_248 = vector.shape_cast %swap3A_247 : vector<16xi32> to vector<16xi32>
      %swap3A_249 = vector.shape_cast %bitcast_convert_type3A : vector<16xi32> to vector<16xi32>
      tpu.vector_store %arg14[%swap3A], %swap3A_249 {strides = array<i32>} : memref<10000xi32, #tpu.memory_space<vmem>>, vector<16xi32>,
    }
    %while3A_72 = arith.constant 1 : i32
    scf.for %while3A_230 = %while3A_70 to %while3A_66 step %while3A_72  : i32 {
      %mul3A_231 = arith.constant 16 : i32
      %mul3A_232 = arith.muli %while3A_230, %mul3A_231 : i32
      %get3A = arith.index_cast %mul3A_232 : i32 to index
      %get3A_233 = tpu.vector_load %arg8[%get3A] {strides = array<i32>} : memref<10000xi32, #tpu.memory_space<vmem>>, vector<16xi32>,
      %get3A_234 = vector.shape_cast %get3A_233 : vector<16xi32> to vector<16xi32>
      %get3A_235 = arith.index_cast %mul3A_232 : i32 to index
      %get3A_236 = tpu.vector_load %arg11[%get3A_235] {strides = array<i32>} : memref<10000xi32, #tpu.memory_space<vmem>>, vector<16xi32>,
      %get3A_237 = vector.shape_cast %get3A_236 : vector<16xi32> to vector<16xi32>
      %shift_right_logical3A = vector.broadcast %while3A_58 : i32 to vector<16xi32>
      %shift_right_logical3A_238 = arith.shrui %get3A_237, %shift_right_logical3A : vector<16xi32>
      %mul3A_239 = vector.broadcast %while3A_59 : i32 to vector<16xi32>
      %mul3A_240 = arith.muli %shift_right_logical3A_238, %mul3A_239 : vector<16xi32>
      %and3A = vector.broadcast %while3A_60 : i32 to vector<16xi32>
      %and3A_241 = arith.andi %get3A_234, %and3A : vector<16xi32>
      %shift_left3A = vector.broadcast %while3A_61 : i32 to vector<16xi32>
      %shift_left3A_242 = arith.shli %and3A_241, %shift_left3A : vector<16xi32>
      %add3A_243 = arith.addi %mul3A_240, %shift_left3A_242 : vector<16xi32>
      %and3A_244 = vector.broadcast %while3A_62 : i32 to vector<16xi32>
      %and3A_245 = arith.andi %get3A_237, %and3A_244 : vector<16xi32>
      %add3A_246 = arith.addi %add3A_243, %and3A_245 : vector<16xi32>
      %bitcast_convert_type3A = tpu.bitcast %add3A_246 : vector<16xi32> -> vector<16xi32>
      %swap3A = arith.index_cast %mul3A_232 : i32 to index
      %swap3A_247 = tpu.vector_load %arg14[%swap3A] {strides = array<i32>} : memref<10000xi32, #tpu.memory_space<vmem>>, vector<16xi32>,
      %swap3A_248 = vector.shape_cast %swap3A_247 : vector<16xi32> to vector<16xi32>
      %swap3A_249 = vector.shape_cast %bitcast_convert_type3A : vector<16xi32> to vector<16xi32>
      tpu.vector_store %arg14[%swap3A], %swap3A_249 {strides = array<i32>} : memref<10000xi32, #tpu.memory_space<vmem>>, vector<16xi32>,
    }
    %dma_start3A_73 = arith.constant 0 : i32
    %dma_start3A_74 = tpu.memref_slice %arg5[%dma_start3A_73] : memref<52428800xi32, #tpu.memory_space<hbm>> -> memref<52428800xi32, #tpu.memory_space<hbm>>
    tpu.enqueue_indirect_dma source(%dma_start3A_74 : memref<52428800xi32, #tpu.memory_space<hbm>>) target(%arg17 : memref<10000xi32, #tpu.memory_space<vmem>>) offsets(%arg14 : memref<10000xi32, #tpu.memory_space<vmem>>) semaphore(%arg21 : memref<!tpu.dma_semaphore, #tpu.memory_space<semaphore_mem>>)
    %dma_wait3A = arith.constant 0 : i32
    %dma_wait3A_75 = tpu.memref_slice %arg5[%dma_wait3A] : memref<52428800xi32, #tpu.memory_space<hbm>> -> memref<52428800xi32, #tpu.memory_space<hbm>>
    tpu.wait_indirect_dma semaphore(%arg19 : memref<!tpu.dma_semaphore, #tpu.memory_space<semaphore_mem>>) src(%dma_wait3A_75 : memref<52428800xi32, #tpu.memory_space<hbm>>) dst(%arg15 : memref<10000xi32, #tpu.memory_space<vmem>>)
    %while3A_76 = arith.constant 0 : i32
    %while3A_77 = arith.constant 1 : i32
    %while3A_78 = arith.constant 0 : i32
    %while3A_79 = arith.constant -65536 : i32
    %while3A_80 = arith.constant 16 : i32
    %while3A_81 = arith.constant 0 : i32
    %while3A_82 = arith.constant 625 : i32
    %while3A_83 = arith.subi %while3A_82, %while3A_81 : i32
    %while3A_84 = arith.addi %while3A_81, %while3A_83 : i32
    %while3A_85 = arith.constant 1 : i32
    %while3A_86 = arith.divsi %while3A_83, %while3A_85 : i32
    %while3A_87 = arith.muli %while3A_86, %while3A_85 : i32
    %while3A_88 = arith.addi %while3A_81, %while3A_87 : i32
    %while3A_89 = arith.constant 1 : i32
    scf.for %while3A_230 = %while3A_81 to %while3A_88 step %while3A_89  : i32 {
      %mul3A_231 = arith.constant 16 : i32
      %mul3A_232 = arith.muli %while3A_230, %mul3A_231 : i32
      %get3A = arith.index_cast %mul3A_232 : i32 to index
      %get3A_233 = tpu.vector_load %arg15[%get3A] {strides = array<i32>} : memref<10000xi32, #tpu.memory_space<vmem>>, vector<16xi32>,
      %get3A_234 = vector.shape_cast %get3A_233 : vector<16xi32> to vector<16xi32>
      %get3A_235 = arith.index_cast %mul3A_232 : i32 to index
      %get3A_236 = tpu.vector_load %arg8[%get3A_235] {strides = array<i32>} : memref<10000xi32, #tpu.memory_space<vmem>>, vector<16xi32>,
      %get3A_237 = vector.shape_cast %get3A_236 : vector<16xi32> to vector<16xi32>
      %and3A = vector.broadcast %while3A_77 : i32 to vector<16xi32>
      %and3A_238 = arith.andi %get3A_237, %and3A : vector<16xi32>
      %sub3A = vector.broadcast %while3A_78 : i32 to vector<16xi32>
      %sub3A_239 = arith.subi %sub3A, %and3A_238 : vector<16xi32>
      %and3A_240 = vector.broadcast %while3A_79 : i32 to vector<16xi32>
      %and3A_241 = arith.andi %get3A_234, %and3A_240 : vector<16xi32>
      %and3A_242 = arith.andi %and3A_241, %sub3A_239 : vector<16xi32>
      %shift_left3A = vector.broadcast %while3A_80 : i32 to vector<16xi32>
      %shift_left3A_243 = arith.shli %get3A_234, %shift_left3A : vector<16xi32>
      %not3A = arith.constant dense<-1> : vector<16xi32>
      %not3A_244 = arith.xori %sub3A_239, %not3A : vector<16xi32>
      %and3A_245 = arith.andi %shift_left3A_243, %not3A_244 : vector<16xi32>
      %or3A = arith.ori %and3A_242, %and3A_245 : vector<16xi32>
      %bitcast_convert_type3A = tpu.bitcast %or3A : vector<16xi32> -> vector<16xf32>
      %swap3A = arith.index_cast %mul3A_232 : i32 to index
      %swap3A_246 = tpu.vector_load %arg18[%swap3A] {strides = array<i32>} : memref<10000xf32, #tpu.memory_space<vmem>>, vector<16xf32>,
      %swap3A_247 = vector.shape_cast %swap3A_246 : vector<16xf32> to vector<16xf32>
      %swap3A_248 = vector.shape_cast %bitcast_convert_type3A : vector<16xf32> to vector<16xf32>
      tpu.vector_store %arg18[%swap3A], %swap3A_248 {strides = array<i32>} : memref<10000xf32, #tpu.memory_space<vmem>>, vector<16xf32>,
    }
    %while3A_90 = arith.constant 1 : i32
    scf.for %while3A_230 = %while3A_88 to %while3A_84 step %while3A_90  : i32 {
      %mul3A_231 = arith.constant 16 : i32
      %mul3A_232 = arith.muli %while3A_230, %mul3A_231 : i32
      %get3A = arith.index_cast %mul3A_232 : i32 to index
      %get3A_233 = tpu.vector_load %arg15[%get3A] {strides = array<i32>} : memref<10000xi32, #tpu.memory_space<vmem>>, vector<16xi32>,
      %get3A_234 = vector.shape_cast %get3A_233 : vector<16xi32> to vector<16xi32>
      %get3A_235 = arith.index_cast %mul3A_232 : i32 to index
      %get3A_236 = tpu.vector_load %arg8[%get3A_235] {strides = array<i32>} : memref<10000xi32, #tpu.memory_space<vmem>>, vector<16xi32>,
      %get3A_237 = vector.shape_cast %get3A_236 : vector<16xi32> to vector<16xi32>
      %and3A = vector.broadcast %while3A_77 : i32 to vector<16xi32>
      %and3A_238 = arith.andi %get3A_237, %and3A : vector<16xi32>
      %sub3A = vector.broadcast %while3A_78 : i32 to vector<16xi32>
      %sub3A_239 = arith.subi %sub3A, %and3A_238 : vector<16xi32>
      %and3A_240 = vector.broadcast %while3A_79 : i32 to vector<16xi32>
      %and3A_241 = arith.andi %get3A_234, %and3A_240 : vector<16xi32>
      %and3A_242 = arith.andi %and3A_241, %sub3A_239 : vector<16xi32>
      %shift_left3A = vector.broadcast %while3A_80 : i32 to vector<16xi32>
      %shift_left3A_243 = arith.shli %get3A_234, %shift_left3A : vector<16xi32>
      %not3A = arith.constant dense<-1> : vector<16xi32>
      %not3A_244 = arith.xori %sub3A_239, %not3A : vector<16xi32>
      %and3A_245 = arith.andi %shift_left3A_243, %not3A_244 : vector<16xi32>
      %or3A = arith.ori %and3A_242, %and3A_245 : vector<16xi32>
      %bitcast_convert_type3A = tpu.bitcast %or3A : vector<16xi32> -> vector<16xf32>
      %swap3A = arith.index_cast %mul3A_232 : i32 to index
      %swap3A_246 = tpu.vector_load %arg18[%swap3A] {strides = array<i32>} : memref<10000xf32, #tpu.memory_space<vmem>>, vector<16xf32>,
      %swap3A_247 = vector.shape_cast %swap3A_246 : vector<16xf32> to vector<16xf32>
      %swap3A_248 = vector.shape_cast %bitcast_convert_type3A : vector<16xf32> to vector<16xf32>
      tpu.vector_store %arg18[%swap3A], %swap3A_248 {strides = array<i32>} : memref<10000xf32, #tpu.memory_space<vmem>>, vector<16xf32>,
    }
    "tpu.region"() ({
      %run_scoped3A = tpu.sem_alloc : memref<!tpu.dma_semaphore, #tpu.memory_space<semaphore_mem>>
      %dma_start3A_230 = tpu.memref_slice %arg6[%mul3A_2] : memref<320000xf32, #tpu.memory_space<hbm>> -> memref<10000xf32, #tpu.memory_space<hbm>>
      %dma_start3A_231 = tpu.memref_slice %arg6[%mul3A_2] : memref<320000xf32, #tpu.memory_space<hbm>> -> memref<10000xf32, #tpu.memory_space<hbm>>
      tpu.enqueue_dma source(%arg18 : memref<10000xf32, #tpu.memory_space<vmem>>) target(%dma_start3A_231 : memref<10000xf32, #tpu.memory_space<hbm>>) target_semaphore(%run_scoped3A : memref<!tpu.dma_semaphore, #tpu.memory_space<semaphore_mem>>)
      %dma_wait3A_232 = tpu.memref_slice %arg6[%mul3A_2] : memref<320000xf32, #tpu.memory_space<hbm>> -> memref<10000xf32, #tpu.memory_space<hbm>>
      %dma_wait3A_233 = tpu.memref_slice %arg6[%mul3A_2] : memref<320000xf32, #tpu.memory_space<hbm>> -> memref<10000xf32, #tpu.memory_space<hbm>>
      tpu.wait_dma2 semaphore(%run_scoped3A : memref<!tpu.dma_semaphore, #tpu.memory_space<semaphore_mem>>) src(%arg18 : memref<10000xf32, #tpu.memory_space<vmem>>) dst(%dma_wait3A_233 : memref<10000xf32, #tpu.memory_space<hbm>>)
      tpu.yield
    }) : () -> ()
    "tpu.region"() ({
      %run_scoped3A = tpu.sem_alloc : memref<!tpu.dma_semaphore, #tpu.memory_space<semaphore_mem>>
      %dma_start3A_230 = tpu.memref_slice %arg4[%add3A_12] : memref<1600000xi32, #tpu.memory_space<hbm>> -> memref<10000xi32, #tpu.memory_space<hbm>>
      %dma_start3A_231 = tpu.memref_slice %arg4[%add3A_12] : memref<1600000xi32, #tpu.memory_space<hbm>> -> memref<10000xi32, #tpu.memory_space<hbm>>
      tpu.enqueue_dma source(%dma_start3A_231 : memref<10000xi32, #tpu.memory_space<hbm>>) target(%arg9 : memref<10000xi32, #tpu.memory_space<vmem>>) target_semaphore(%run_scoped3A : memref<!tpu.dma_semaphore, #tpu.memory_space<semaphore_mem>>)
      %dma_wait3A_232 = tpu.memref_slice %arg4[%add3A_12] : memref<1600000xi32, #tpu.memory_space<hbm>> -> memref<10000xi32, #tpu.memory_space<hbm>>
      %dma_wait3A_233 = tpu.memref_slice %arg4[%add3A_12] : memref<1600000xi32, #tpu.memory_space<hbm>> -> memref<10000xi32, #tpu.memory_space<hbm>>
      tpu.wait_dma2 semaphore(%run_scoped3A : memref<!tpu.dma_semaphore, #tpu.memory_space<semaphore_mem>>) src(%dma_wait3A_233 : memref<10000xi32, #tpu.memory_space<hbm>>) dst(%arg9 : memref<10000xi32, #tpu.memory_space<vmem>>)
      tpu.yield
    }) : () -> ()
    %while3A_91 = arith.constant 0 : i32
    %while3A_92 = arith.constant 7 : i32
    %while3A_93 = arith.constant 655360 : i32
    %while3A_94 = arith.constant -2 : i32
    %while3A_95 = arith.constant 6 : i32
    %while3A_96 = arith.constant 127 : i32
    %while3A_97 = arith.constant 0 : i32
    %while3A_98 = arith.constant 625 : i32
    %while3A_99 = arith.subi %while3A_98, %while3A_97 : i32
    %while3A_100 = arith.addi %while3A_97, %while3A_99 : i32
    %while3A_101 = arith.constant 1 : i32
    %while3A_102 = arith.divsi %while3A_99, %while3A_101 : i32
    %while3A_103 = arith.muli %while3A_102, %while3A_101 : i32
    %while3A_104 = arith.addi %while3A_97, %while3A_103 : i32
    %while3A_105 = arith.constant 1 : i32
    scf.for %while3A_230 = %while3A_97 to %while3A_104 step %while3A_105  : i32 {
      %mul3A_231 = arith.constant 16 : i32
      %mul3A_232 = arith.muli %while3A_230, %mul3A_231 : i32
      %get3A = arith.index_cast %mul3A_232 : i32 to index
      %get3A_233 = tpu.vector_load %arg8[%get3A] {strides = array<i32>} : memref<10000xi32, #tpu.memory_space<vmem>>, vector<16xi32>,
      %get3A_234 = vector.shape_cast %get3A_233 : vector<16xi32> to vector<16xi32>
      %get3A_235 = arith.index_cast %mul3A_232 : i32 to index
      %get3A_236 = tpu.vector_load %arg9[%get3A_235] {strides = array<i32>} : memref<10000xi32, #tpu.memory_space<vmem>>, vector<16xi32>,
      %get3A_237 = vector.shape_cast %get3A_236 : vector<16xi32> to vector<16xi32>
      %shift_right_logical3A = vector.broadcast %while3A_92 : i32 to vector<16xi32>
      %shift_right_logical3A_238 = arith.shrui %get3A_237, %shift_right_logical3A : vector<16xi32>
      %mul3A_239 = vector.broadcast %while3A_93 : i32 to vector<16xi32>
      %mul3A_240 = arith.muli %shift_right_logical3A_238, %mul3A_239 : vector<16xi32>
      %and3A = vector.broadcast %while3A_94 : i32 to vector<16xi32>
      %and3A_241 = arith.andi %get3A_234, %and3A : vector<16xi32>
      %shift_left3A = vector.broadcast %while3A_95 : i32 to vector<16xi32>
      %shift_left3A_242 = arith.shli %and3A_241, %shift_left3A : vector<16xi32>
      %add3A_243 = arith.addi %mul3A_240, %shift_left3A_242 : vector<16xi32>
      %and3A_244 = vector.broadcast %while3A_96 : i32 to vector<16xi32>
      %and3A_245 = arith.andi %get3A_237, %and3A_244 : vector<16xi32>
      %add3A_246 = arith.addi %add3A_243, %and3A_245 : vector<16xi32>
      %bitcast_convert_type3A = tpu.bitcast %add3A_246 : vector<16xi32> -> vector<16xi32>
      %swap3A = arith.index_cast %mul3A_232 : i32 to index
      %swap3A_247 = tpu.vector_load %arg12[%swap3A] {strides = array<i32>} : memref<10000xi32, #tpu.memory_space<vmem>>, vector<16xi32>,
      %swap3A_248 = vector.shape_cast %swap3A_247 : vector<16xi32> to vector<16xi32>
      %swap3A_249 = vector.shape_cast %bitcast_convert_type3A : vector<16xi32> to vector<16xi32>
      tpu.vector_store %arg12[%swap3A], %swap3A_249 {strides = array<i32>} : memref<10000xi32, #tpu.memory_space<vmem>>, vector<16xi32>,
    }
    %while3A_106 = arith.constant 1 : i32
    scf.for %while3A_230 = %while3A_104 to %while3A_100 step %while3A_106  : i32 {
      %mul3A_231 = arith.constant 16 : i32
      %mul3A_232 = arith.muli %while3A_230, %mul3A_231 : i32
      %get3A = arith.index_cast %mul3A_232 : i32 to index
      %get3A_233 = tpu.vector_load %arg8[%get3A] {strides = array<i32>} : memref<10000xi32, #tpu.memory_space<vmem>>, vector<16xi32>,
      %get3A_234 = vector.shape_cast %get3A_233 : vector<16xi32> to vector<16xi32>
      %get3A_235 = arith.index_cast %mul3A_232 : i32 to index
      %get3A_236 = tpu.vector_load %arg9[%get3A_235] {strides = array<i32>} : memref<10000xi32, #tpu.memory_space<vmem>>, vector<16xi32>,
      %get3A_237 = vector.shape_cast %get3A_236 : vector<16xi32> to vector<16xi32>
      %shift_right_logical3A = vector.broadcast %while3A_92 : i32 to vector<16xi32>
      %shift_right_logical3A_238 = arith.shrui %get3A_237, %shift_right_logical3A : vector<16xi32>
      %mul3A_239 = vector.broadcast %while3A_93 : i32 to vector<16xi32>
      %mul3A_240 = arith.muli %shift_right_logical3A_238, %mul3A_239 : vector<16xi32>
      %and3A = vector.broadcast %while3A_94 : i32 to vector<16xi32>
      %and3A_241 = arith.andi %get3A_234, %and3A : vector<16xi32>
      %shift_left3A = vector.broadcast %while3A_95 : i32 to vector<16xi32>
      %shift_left3A_242 = arith.shli %and3A_241, %shift_left3A : vector<16xi32>
      %add3A_243 = arith.addi %mul3A_240, %shift_left3A_242 : vector<16xi32>
      %and3A_244 = vector.broadcast %while3A_96 : i32 to vector<16xi32>
      %and3A_245 = arith.andi %get3A_237, %and3A_244 : vector<16xi32>
      %add3A_246 = arith.addi %add3A_243, %and3A_245 : vector<16xi32>
      %bitcast_convert_type3A = tpu.bitcast %add3A_246 : vector<16xi32> -> vector<16xi32>
      %swap3A = arith.index_cast %mul3A_232 : i32 to index
      %swap3A_247 = tpu.vector_load %arg12[%swap3A] {strides = array<i32>} : memref<10000xi32, #tpu.memory_space<vmem>>, vector<16xi32>,
      %swap3A_248 = vector.shape_cast %swap3A_247 : vector<16xi32> to vector<16xi32>
      %swap3A_249 = vector.shape_cast %bitcast_convert_type3A : vector<16xi32> to vector<16xi32>
      tpu.vector_store %arg12[%swap3A], %swap3A_249 {strides = array<i32>} : memref<10000xi32, #tpu.memory_space<vmem>>, vector<16xi32>,
    }
    %dma_start3A_107 = arith.constant 0 : i32
    %dma_start3A_108 = tpu.memref_slice %arg5[%dma_start3A_107] : memref<52428800xi32, #tpu.memory_space<hbm>> -> memref<52428800xi32, #tpu.memory_space<hbm>>
    tpu.enqueue_indirect_dma source(%dma_start3A_108 : memref<52428800xi32, #tpu.memory_space<hbm>>) target(%arg15 : memref<10000xi32, #tpu.memory_space<vmem>>) offsets(%arg12 : memref<10000xi32, #tpu.memory_space<vmem>>) semaphore(%arg19 : memref<!tpu.dma_semaphore, #tpu.memory_space<semaphore_mem>>)
    %dma_wait3A_109 = arith.constant 0 : i32
    %dma_wait3A_110 = tpu.memref_slice %arg5[%dma_wait3A_109] : memref<52428800xi32, #tpu.memory_space<hbm>> -> memref<52428800xi32, #tpu.memory_space<hbm>>
    tpu.wait_indirect_dma semaphore(%arg20 : memref<!tpu.dma_semaphore, #tpu.memory_space<semaphore_mem>>) src(%dma_wait3A_110 : memref<52428800xi32, #tpu.memory_space<hbm>>) dst(%arg16 : memref<10000xi32, #tpu.memory_space<vmem>>)
    %while3A_111 = arith.constant 0 : i32
    %while3A_112 = arith.constant 1 : i32
    %while3A_113 = arith.constant 0 : i32
    %while3A_114 = arith.constant -65536 : i32
    %while3A_115 = arith.constant 16 : i32
    %while3A_116 = arith.constant 0 : i32
    %while3A_117 = arith.constant 625 : i32
    %while3A_118 = arith.subi %while3A_117, %while3A_116 : i32
    %while3A_119 = arith.addi %while3A_116, %while3A_118 : i32
    %while3A_120 = arith.constant 1 : i32
    %while3A_121 = arith.divsi %while3A_118, %while3A_120 : i32
    %while3A_122 = arith.muli %while3A_121, %while3A_120 : i32
    %while3A_123 = arith.addi %while3A_116, %while3A_122 : i32
    %while3A_124 = arith.constant 1 : i32
    scf.for %while3A_230 = %while3A_116 to %while3A_123 step %while3A_124  : i32 {
      %mul3A_231 = arith.constant 16 : i32
      %mul3A_232 = arith.muli %while3A_230, %mul3A_231 : i32
      %get3A = arith.index_cast %mul3A_232 : i32 to index
      %get3A_233 = tpu.vector_load %arg16[%get3A] {strides = array<i32>} : memref<10000xi32, #tpu.memory_space<vmem>>, vector<16xi32>,
      %get3A_234 = vector.shape_cast %get3A_233 : vector<16xi32> to vector<16xi32>
      %get3A_235 = arith.index_cast %mul3A_232 : i32 to index
      %get3A_236 = tpu.vector_load %arg8[%get3A_235] {strides = array<i32>} : memref<10000xi32, #tpu.memory_space<vmem>>, vector<16xi32>,
      %get3A_237 = vector.shape_cast %get3A_236 : vector<16xi32> to vector<16xi32>
      %and3A = vector.broadcast %while3A_112 : i32 to vector<16xi32>
      %and3A_238 = arith.andi %get3A_237, %and3A : vector<16xi32>
      %sub3A = vector.broadcast %while3A_113 : i32 to vector<16xi32>
      %sub3A_239 = arith.subi %sub3A, %and3A_238 : vector<16xi32>
      %and3A_240 = vector.broadcast %while3A_114 : i32 to vector<16xi32>
      %and3A_241 = arith.andi %get3A_234, %and3A_240 : vector<16xi32>
      %and3A_242 = arith.andi %and3A_241, %sub3A_239 : vector<16xi32>
      %shift_left3A = vector.broadcast %while3A_115 : i32 to vector<16xi32>
      %shift_left3A_243 = arith.shli %get3A_234, %shift_left3A : vector<16xi32>
      %not3A = arith.constant dense<-1> : vector<16xi32>
      %not3A_244 = arith.xori %sub3A_239, %not3A : vector<16xi32>
      %and3A_245 = arith.andi %shift_left3A_243, %not3A_244 : vector<16xi32>
      %or3A = arith.ori %and3A_242, %and3A_245 : vector<16xi32>
      %bitcast_convert_type3A = tpu.bitcast %or3A : vector<16xi32> -> vector<16xf32>
      %swap3A = arith.index_cast %mul3A_232 : i32 to index
      %swap3A_246 = tpu.vector_load %arg18[%swap3A] {strides = array<i32>} : memref<10000xf32, #tpu.memory_space<vmem>>, vector<16xf32>,
      %swap3A_247 = vector.shape_cast %swap3A_246 : vector<16xf32> to vector<16xf32>
      %swap3A_248 = vector.shape_cast %bitcast_convert_type3A : vector<16xf32> to vector<16xf32>
      tpu.vector_store %arg18[%swap3A], %swap3A_248 {strides = array<i32>} : memref<10000xf32, #tpu.memory_space<vmem>>, vector<16xf32>,
    }
    %while3A_125 = arith.constant 1 : i32
    scf.for %while3A_230 = %while3A_123 to %while3A_119 step %while3A_125  : i32 {
      %mul3A_231 = arith.constant 16 : i32
      %mul3A_232 = arith.muli %while3A_230, %mul3A_231 : i32
      %get3A = arith.index_cast %mul3A_232 : i32 to index
      %get3A_233 = tpu.vector_load %arg16[%get3A] {strides = array<i32>} : memref<10000xi32, #tpu.memory_space<vmem>>, vector<16xi32>,
      %get3A_234 = vector.shape_cast %get3A_233 : vector<16xi32> to vector<16xi32>
      %get3A_235 = arith.index_cast %mul3A_232 : i32 to index
      %get3A_236 = tpu.vector_load %arg8[%get3A_235] {strides = array<i32>} : memref<10000xi32, #tpu.memory_space<vmem>>, vector<16xi32>,
      %get3A_237 = vector.shape_cast %get3A_236 : vector<16xi32> to vector<16xi32>
      %and3A = vector.broadcast %while3A_112 : i32 to vector<16xi32>
      %and3A_238 = arith.andi %get3A_237, %and3A : vector<16xi32>
      %sub3A = vector.broadcast %while3A_113 : i32 to vector<16xi32>
      %sub3A_239 = arith.subi %sub3A, %and3A_238 : vector<16xi32>
      %and3A_240 = vector.broadcast %while3A_114 : i32 to vector<16xi32>
      %and3A_241 = arith.andi %get3A_234, %and3A_240 : vector<16xi32>
      %and3A_242 = arith.andi %and3A_241, %sub3A_239 : vector<16xi32>
      %shift_left3A = vector.broadcast %while3A_115 : i32 to vector<16xi32>
      %shift_left3A_243 = arith.shli %get3A_234, %shift_left3A : vector<16xi32>
      %not3A = arith.constant dense<-1> : vector<16xi32>
      %not3A_244 = arith.xori %sub3A_239, %not3A : vector<16xi32>
      %and3A_245 = arith.andi %shift_left3A_243, %not3A_244 : vector<16xi32>
      %or3A = arith.ori %and3A_242, %and3A_245 : vector<16xi32>
      %bitcast_convert_type3A = tpu.bitcast %or3A : vector<16xi32> -> vector<16xf32>
      %swap3A = arith.index_cast %mul3A_232 : i32 to index
      %swap3A_246 = tpu.vector_load %arg18[%swap3A] {strides = array<i32>} : memref<10000xf32, #tpu.memory_space<vmem>>, vector<16xf32>,
      %swap3A_247 = vector.shape_cast %swap3A_246 : vector<16xf32> to vector<16xf32>
      %swap3A_248 = vector.shape_cast %bitcast_convert_type3A : vector<16xf32> to vector<16xf32>
      tpu.vector_store %arg18[%swap3A], %swap3A_248 {strides = array<i32>} : memref<10000xf32, #tpu.memory_space<vmem>>, vector<16xf32>,
    }
    "tpu.region"() ({
      %run_scoped3A = tpu.sem_alloc : memref<!tpu.dma_semaphore, #tpu.memory_space<semaphore_mem>>
      %dma_start3A_230 = tpu.memref_slice %arg7[%add3A_6] : memref<1600000xf32, #tpu.memory_space<hbm>> -> memref<10000xf32, #tpu.memory_space<hbm>>
      %dma_start3A_231 = tpu.memref_slice %arg7[%add3A_6] : memref<1600000xf32, #tpu.memory_space<hbm>> -> memref<10000xf32, #tpu.memory_space<hbm>>
      tpu.enqueue_dma source(%arg18 : memref<10000xf32, #tpu.memory_space<vmem>>) target(%dma_start3A_231 : memref<10000xf32, #tpu.memory_space<hbm>>) target_semaphore(%run_scoped3A : memref<!tpu.dma_semaphore, #tpu.memory_space<semaphore_mem>>)
      %dma_wait3A_232 = tpu.memref_slice %arg7[%add3A_6] : memref<1600000xf32, #tpu.memory_space<hbm>> -> memref<10000xf32, #tpu.memory_space<hbm>>
      %dma_wait3A_233 = tpu.memref_slice %arg7[%add3A_6] : memref<1600000xf32, #tpu.memory_space<hbm>> -> memref<10000xf32, #tpu.memory_space<hbm>>
      tpu.wait_dma2 semaphore(%run_scoped3A : memref<!tpu.dma_semaphore, #tpu.memory_space<semaphore_mem>>) src(%arg18 : memref<10000xf32, #tpu.memory_space<vmem>>) dst(%dma_wait3A_233 : memref<10000xf32, #tpu.memory_space<hbm>>)
      tpu.yield
    }) : () -> ()
    "tpu.region"() ({
      %run_scoped3A = tpu.sem_alloc : memref<!tpu.dma_semaphore, #tpu.memory_space<semaphore_mem>>
      %dma_start3A_230 = tpu.memref_slice %arg4[%add3A_16] : memref<1600000xi32, #tpu.memory_space<hbm>> -> memref<10000xi32, #tpu.memory_space<hbm>>
      %dma_start3A_231 = tpu.memref_slice %arg4[%add3A_16] : memref<1600000xi32, #tpu.memory_space<hbm>> -> memref<10000xi32, #tpu.memory_space<hbm>>
      tpu.enqueue_dma source(%dma_start3A_231 : memref<10000xi32, #tpu.memory_space<hbm>>) target(%arg10 : memref<10000xi32, #tpu.memory_space<vmem>>) target_semaphore(%run_scoped3A : memref<!tpu.dma_semaphore, #tpu.memory_space<semaphore_mem>>)
      %dma_wait3A_232 = tpu.memref_slice %arg4[%add3A_16] : memref<1600000xi32, #tpu.memory_space<hbm>> -> memref<10000xi32, #tpu.memory_space<hbm>>
      %dma_wait3A_233 = tpu.memref_slice %arg4[%add3A_16] : memref<1600000xi32, #tpu.memory_space<hbm>> -> memref<10000xi32, #tpu.memory_space<hbm>>
      tpu.wait_dma2 semaphore(%run_scoped3A : memref<!tpu.dma_semaphore, #tpu.memory_space<semaphore_mem>>) src(%dma_wait3A_233 : memref<10000xi32, #tpu.memory_space<hbm>>) dst(%arg10 : memref<10000xi32, #tpu.memory_space<vmem>>)
      tpu.yield
    }) : () -> ()
    %while3A_126 = arith.constant 0 : i32
    %while3A_127 = arith.constant 7 : i32
    %while3A_128 = arith.constant 655360 : i32
    %while3A_129 = arith.constant -2 : i32
    %while3A_130 = arith.constant 6 : i32
    %while3A_131 = arith.constant 127 : i32
    %while3A_132 = arith.constant 0 : i32
    %while3A_133 = arith.constant 625 : i32
    %while3A_134 = arith.subi %while3A_133, %while3A_132 : i32
    %while3A_135 = arith.addi %while3A_132, %while3A_134 : i32
    %while3A_136 = arith.constant 1 : i32
    %while3A_137 = arith.divsi %while3A_134, %while3A_136 : i32
    %while3A_138 = arith.muli %while3A_137, %while3A_136 : i32
    %while3A_139 = arith.addi %while3A_132, %while3A_138 : i32
    %while3A_140 = arith.constant 1 : i32
    scf.for %while3A_230 = %while3A_132 to %while3A_139 step %while3A_140  : i32 {
      %mul3A_231 = arith.constant 16 : i32
      %mul3A_232 = arith.muli %while3A_230, %mul3A_231 : i32
      %get3A = arith.index_cast %mul3A_232 : i32 to index
      %get3A_233 = tpu.vector_load %arg8[%get3A] {strides = array<i32>} : memref<10000xi32, #tpu.memory_space<vmem>>, vector<16xi32>,
      %get3A_234 = vector.shape_cast %get3A_233 : vector<16xi32> to vector<16xi32>
      %get3A_235 = arith.index_cast %mul3A_232 : i32 to index
      %get3A_236 = tpu.vector_load %arg10[%get3A_235] {strides = array<i32>} : memref<10000xi32, #tpu.memory_space<vmem>>, vector<16xi32>,
      %get3A_237 = vector.shape_cast %get3A_236 : vector<16xi32> to vector<16xi32>
      %shift_right_logical3A = vector.broadcast %while3A_127 : i32 to vector<16xi32>
      %shift_right_logical3A_238 = arith.shrui %get3A_237, %shift_right_logical3A : vector<16xi32>
      %mul3A_239 = vector.broadcast %while3A_128 : i32 to vector<16xi32>
      %mul3A_240 = arith.muli %shift_right_logical3A_238, %mul3A_239 : vector<16xi32>
      %and3A = vector.broadcast %while3A_129 : i32 to vector<16xi32>
      %and3A_241 = arith.andi %get3A_234, %and3A : vector<16xi32>
      %shift_left3A = vector.broadcast %while3A_130 : i32 to vector<16xi32>
      %shift_left3A_242 = arith.shli %and3A_241, %shift_left3A : vector<16xi32>
      %add3A_243 = arith.addi %mul3A_240, %shift_left3A_242 : vector<16xi32>
      %and3A_244 = vector.broadcast %while3A_131 : i32 to vector<16xi32>
      %and3A_245 = arith.andi %get3A_237, %and3A_244 : vector<16xi32>
      %add3A_246 = arith.addi %add3A_243, %and3A_245 : vector<16xi32>
      %bitcast_convert_type3A = tpu.bitcast %add3A_246 : vector<16xi32> -> vector<16xi32>
      %swap3A = arith.index_cast %mul3A_232 : i32 to index
      %swap3A_247 = tpu.vector_load %arg13[%swap3A] {strides = array<i32>} : memref<10000xi32, #tpu.memory_space<vmem>>, vector<16xi32>,
      %swap3A_248 = vector.shape_cast %swap3A_247 : vector<16xi32> to vector<16xi32>
      %swap3A_249 = vector.shape_cast %bitcast_convert_type3A : vector<16xi32> to vector<16xi32>
      tpu.vector_store %arg13[%swap3A], %swap3A_249 {strides = array<i32>} : memref<10000xi32, #tpu.memory_space<vmem>>, vector<16xi32>,
    }
    %while3A_141 = arith.constant 1 : i32
    scf.for %while3A_230 = %while3A_139 to %while3A_135 step %while3A_141  : i32 {
      %mul3A_231 = arith.constant 16 : i32
      %mul3A_232 = arith.muli %while3A_230, %mul3A_231 : i32
      %get3A = arith.index_cast %mul3A_232 : i32 to index
      %get3A_233 = tpu.vector_load %arg8[%get3A] {strides = array<i32>} : memref<10000xi32, #tpu.memory_space<vmem>>, vector<16xi32>,
      %get3A_234 = vector.shape_cast %get3A_233 : vector<16xi32> to vector<16xi32>
      %get3A_235 = arith.index_cast %mul3A_232 : i32 to index
      %get3A_236 = tpu.vector_load %arg10[%get3A_235] {strides = array<i32>} : memref<10000xi32, #tpu.memory_space<vmem>>, vector<16xi32>,
      %get3A_237 = vector.shape_cast %get3A_236 : vector<16xi32> to vector<16xi32>
      %shift_right_logical3A = vector.broadcast %while3A_127 : i32 to vector<16xi32>
      %shift_right_logical3A_238 = arith.shrui %get3A_237, %shift_right_logical3A : vector<16xi32>
      %mul3A_239 = vector.broadcast %while3A_128 : i32 to vector<16xi32>
      %mul3A_240 = arith.muli %shift_right_logical3A_238, %mul3A_239 : vector<16xi32>
      %and3A = vector.broadcast %while3A_129 : i32 to vector<16xi32>
      %and3A_241 = arith.andi %get3A_234, %and3A : vector<16xi32>
      %shift_left3A = vector.broadcast %while3A_130 : i32 to vector<16xi32>
      %shift_left3A_242 = arith.shli %and3A_241, %shift_left3A : vector<16xi32>
      %add3A_243 = arith.addi %mul3A_240, %shift_left3A_242 : vector<16xi32>
      %and3A_244 = vector.broadcast %while3A_131 : i32 to vector<16xi32>
      %and3A_245 = arith.andi %get3A_237, %and3A_244 : vector<16xi32>
      %add3A_246 = arith.addi %add3A_243, %and3A_245 : vector<16xi32>
      %bitcast_convert_type3A = tpu.bitcast %add3A_246 : vector<16xi32> -> vector<16xi32>
      %swap3A = arith.index_cast %mul3A_232 : i32 to index
      %swap3A_247 = tpu.vector_load %arg13[%swap3A] {strides = array<i32>} : memref<10000xi32, #tpu.memory_space<vmem>>, vector<16xi32>,
      %swap3A_248 = vector.shape_cast %swap3A_247 : vector<16xi32> to vector<16xi32>
      %swap3A_249 = vector.shape_cast %bitcast_convert_type3A : vector<16xi32> to vector<16xi32>
      tpu.vector_store %arg13[%swap3A], %swap3A_249 {strides = array<i32>} : memref<10000xi32, #tpu.memory_space<vmem>>, vector<16xi32>,
    }
    %dma_start3A_142 = arith.constant 0 : i32
    %dma_start3A_143 = tpu.memref_slice %arg5[%dma_start3A_142] : memref<52428800xi32, #tpu.memory_space<hbm>> -> memref<52428800xi32, #tpu.memory_space<hbm>>
    tpu.enqueue_indirect_dma source(%dma_start3A_143 : memref<52428800xi32, #tpu.memory_space<hbm>>) target(%arg16 : memref<10000xi32, #tpu.memory_space<vmem>>) offsets(%arg13 : memref<10000xi32, #tpu.memory_space<vmem>>) semaphore(%arg20 : memref<!tpu.dma_semaphore, #tpu.memory_space<semaphore_mem>>)
    %dma_wait3A_144 = arith.constant 0 : i32
    %dma_wait3A_145 = tpu.memref_slice %arg5[%dma_wait3A_144] : memref<52428800xi32, #tpu.memory_space<hbm>> -> memref<52428800xi32, #tpu.memory_space<hbm>>
    tpu.wait_indirect_dma semaphore(%arg21 : memref<!tpu.dma_semaphore, #tpu.memory_space<semaphore_mem>>) src(%dma_wait3A_145 : memref<52428800xi32, #tpu.memory_space<hbm>>) dst(%arg17 : memref<10000xi32, #tpu.memory_space<vmem>>)
    %while3A_146 = arith.constant 0 : i32
    %while3A_147 = arith.constant 1 : i32
    %while3A_148 = arith.constant 0 : i32
    %while3A_149 = arith.constant -65536 : i32
    %while3A_150 = arith.constant 16 : i32
    %while3A_151 = arith.constant 0 : i32
    %while3A_152 = arith.constant 625 : i32
    %while3A_153 = arith.subi %while3A_152, %while3A_151 : i32
    %while3A_154 = arith.addi %while3A_151, %while3A_153 : i32
    %while3A_155 = arith.constant 1 : i32
    %while3A_156 = arith.divsi %while3A_153, %while3A_155 : i32
    %while3A_157 = arith.muli %while3A_156, %while3A_155 : i32
    %while3A_158 = arith.addi %while3A_151, %while3A_157 : i32
    %while3A_159 = arith.constant 1 : i32
    scf.for %while3A_230 = %while3A_151 to %while3A_158 step %while3A_159  : i32 {
      %mul3A_231 = arith.constant 16 : i32
      %mul3A_232 = arith.muli %while3A_230, %mul3A_231 : i32
      %get3A = arith.index_cast %mul3A_232 : i32 to index
      %get3A_233 = tpu.vector_load %arg17[%get3A] {strides = array<i32>} : memref<10000xi32, #tpu.memory_space<vmem>>, vector<16xi32>,
      %get3A_234 = vector.shape_cast %get3A_233 : vector<16xi32> to vector<16xi32>
      %get3A_235 = arith.index_cast %mul3A_232 : i32 to index
      %get3A_236 = tpu.vector_load %arg8[%get3A_235] {strides = array<i32>} : memref<10000xi32, #tpu.memory_space<vmem>>, vector<16xi32>,
      %get3A_237 = vector.shape_cast %get3A_236 : vector<16xi32> to vector<16xi32>
      %and3A = vector.broadcast %while3A_147 : i32 to vector<16xi32>
      %and3A_238 = arith.andi %get3A_237, %and3A : vector<16xi32>
      %sub3A = vector.broadcast %while3A_148 : i32 to vector<16xi32>
      %sub3A_239 = arith.subi %sub3A, %and3A_238 : vector<16xi32>
      %and3A_240 = vector.broadcast %while3A_149 : i32 to vector<16xi32>
      %and3A_241 = arith.andi %get3A_234, %and3A_240 : vector<16xi32>
      %and3A_242 = arith.andi %and3A_241, %sub3A_239 : vector<16xi32>
      %shift_left3A = vector.broadcast %while3A_150 : i32 to vector<16xi32>
      %shift_left3A_243 = arith.shli %get3A_234, %shift_left3A : vector<16xi32>
      %not3A = arith.constant dense<-1> : vector<16xi32>
      %not3A_244 = arith.xori %sub3A_239, %not3A : vector<16xi32>
      %and3A_245 = arith.andi %shift_left3A_243, %not3A_244 : vector<16xi32>
      %or3A = arith.ori %and3A_242, %and3A_245 : vector<16xi32>
      %bitcast_convert_type3A = tpu.bitcast %or3A : vector<16xi32> -> vector<16xf32>
      %swap3A = arith.index_cast %mul3A_232 : i32 to index
      %swap3A_246 = tpu.vector_load %arg18[%swap3A] {strides = array<i32>} : memref<10000xf32, #tpu.memory_space<vmem>>, vector<16xf32>,
      %swap3A_247 = vector.shape_cast %swap3A_246 : vector<16xf32> to vector<16xf32>
      %swap3A_248 = vector.shape_cast %bitcast_convert_type3A : vector<16xf32> to vector<16xf32>
      tpu.vector_store %arg18[%swap3A], %swap3A_248 {strides = array<i32>} : memref<10000xf32, #tpu.memory_space<vmem>>, vector<16xf32>,
    }
    %while3A_160 = arith.constant 1 : i32
    scf.for %while3A_230 = %while3A_158 to %while3A_154 step %while3A_160  : i32 {
      %mul3A_231 = arith.constant 16 : i32
      %mul3A_232 = arith.muli %while3A_230, %mul3A_231 : i32
      %get3A = arith.index_cast %mul3A_232 : i32 to index
      %get3A_233 = tpu.vector_load %arg17[%get3A] {strides = array<i32>} : memref<10000xi32, #tpu.memory_space<vmem>>, vector<16xi32>,
      %get3A_234 = vector.shape_cast %get3A_233 : vector<16xi32> to vector<16xi32>
      %get3A_235 = arith.index_cast %mul3A_232 : i32 to index
      %get3A_236 = tpu.vector_load %arg8[%get3A_235] {strides = array<i32>} : memref<10000xi32, #tpu.memory_space<vmem>>, vector<16xi32>,
      %get3A_237 = vector.shape_cast %get3A_236 : vector<16xi32> to vector<16xi32>
      %and3A = vector.broadcast %while3A_147 : i32 to vector<16xi32>
      %and3A_238 = arith.andi %get3A_237, %and3A : vector<16xi32>
      %sub3A = vector.broadcast %while3A_148 : i32 to vector<16xi32>
      %sub3A_239 = arith.subi %sub3A, %and3A_238 : vector<16xi32>
      %and3A_240 = vector.broadcast %while3A_149 : i32 to vector<16xi32>
      %and3A_241 = arith.andi %get3A_234, %and3A_240 : vector<16xi32>
      %and3A_242 = arith.andi %and3A_241, %sub3A_239 : vector<16xi32>
      %shift_left3A = vector.broadcast %while3A_150 : i32 to vector<16xi32>
      %shift_left3A_243 = arith.shli %get3A_234, %shift_left3A : vector<16xi32>
      %not3A = arith.constant dense<-1> : vector<16xi32>
      %not3A_244 = arith.xori %sub3A_239, %not3A : vector<16xi32>
      %and3A_245 = arith.andi %shift_left3A_243, %not3A_244 : vector<16xi32>
      %or3A = arith.ori %and3A_242, %and3A_245 : vector<16xi32>
      %bitcast_convert_type3A = tpu.bitcast %or3A : vector<16xi32> -> vector<16xf32>
      %swap3A = arith.index_cast %mul3A_232 : i32 to index
      %swap3A_246 = tpu.vector_load %arg18[%swap3A] {strides = array<i32>} : memref<10000xf32, #tpu.memory_space<vmem>>, vector<16xf32>,
      %swap3A_247 = vector.shape_cast %swap3A_246 : vector<16xf32> to vector<16xf32>
      %swap3A_248 = vector.shape_cast %bitcast_convert_type3A : vector<16xf32> to vector<16xf32>
      tpu.vector_store %arg18[%swap3A], %swap3A_248 {strides = array<i32>} : memref<10000xf32, #tpu.memory_space<vmem>>, vector<16xf32>,
    }
    "tpu.region"() ({
      %run_scoped3A = tpu.sem_alloc : memref<!tpu.dma_semaphore, #tpu.memory_space<semaphore_mem>>
      %dma_start3A_230 = tpu.memref_slice %arg7[%add3A_10] : memref<1600000xf32, #tpu.memory_space<hbm>> -> memref<10000xf32, #tpu.memory_space<hbm>>
      %dma_start3A_231 = tpu.memref_slice %arg7[%add3A_10] : memref<1600000xf32, #tpu.memory_space<hbm>> -> memref<10000xf32, #tpu.memory_space<hbm>>
      tpu.enqueue_dma source(%arg18 : memref<10000xf32, #tpu.memory_space<vmem>>) target(%dma_start3A_231 : memref<10000xf32, #tpu.memory_space<hbm>>) target_semaphore(%run_scoped3A : memref<!tpu.dma_semaphore, #tpu.memory_space<semaphore_mem>>)
      %dma_wait3A_232 = tpu.memref_slice %arg7[%add3A_10] : memref<1600000xf32, #tpu.memory_space<hbm>> -> memref<10000xf32, #tpu.memory_space<hbm>>
      %dma_wait3A_233 = tpu.memref_slice %arg7[%add3A_10] : memref<1600000xf32, #tpu.memory_space<hbm>> -> memref<10000xf32, #tpu.memory_space<hbm>>
      tpu.wait_dma2 semaphore(%run_scoped3A : memref<!tpu.dma_semaphore, #tpu.memory_space<semaphore_mem>>) src(%arg18 : memref<10000xf32, #tpu.memory_space<vmem>>) dst(%dma_wait3A_233 : memref<10000xf32, #tpu.memory_space<hbm>>)
      tpu.yield
    }) : () -> ()
    "tpu.region"() ({
      %run_scoped3A = tpu.sem_alloc : memref<!tpu.dma_semaphore, #tpu.memory_space<semaphore_mem>>
      %dma_start3A_230 = tpu.memref_slice %arg4[%add3A_20] : memref<1600000xi32, #tpu.memory_space<hbm>> -> memref<10000xi32, #tpu.memory_space<hbm>>
      %dma_start3A_231 = tpu.memref_slice %arg4[%add3A_20] : memref<1600000xi32, #tpu.memory_space<hbm>> -> memref<10000xi32, #tpu.memory_space<hbm>>
      tpu.enqueue_dma source(%dma_start3A_231 : memref<10000xi32, #tpu.memory_space<hbm>>) target(%arg11 : memref<10000xi32, #tpu.memory_space<vmem>>) target_semaphore(%run_scoped3A : memref<!tpu.dma_semaphore, #tpu.memory_space<semaphore_mem>>)
      %dma_wait3A_232 = tpu.memref_slice %arg4[%add3A_20] : memref<1600000xi32, #tpu.memory_space<hbm>> -> memref<10000xi32, #tpu.memory_space<hbm>>
      %dma_wait3A_233 = tpu.memref_slice %arg4[%add3A_20] : memref<1600000xi32, #tpu.memory_space<hbm>> -> memref<10000xi32, #tpu.memory_space<hbm>>
      tpu.wait_dma2 semaphore(%run_scoped3A : memref<!tpu.dma_semaphore, #tpu.memory_space<semaphore_mem>>) src(%dma_wait3A_233 : memref<10000xi32, #tpu.memory_space<hbm>>) dst(%arg11 : memref<10000xi32, #tpu.memory_space<vmem>>)
      tpu.yield
    }) : () -> ()
    %while3A_161 = arith.constant 0 : i32
    %while3A_162 = arith.constant 7 : i32
    %while3A_163 = arith.constant 655360 : i32
    %while3A_164 = arith.constant -2 : i32
    %while3A_165 = arith.constant 6 : i32
    %while3A_166 = arith.constant 127 : i32
    %while3A_167 = arith.constant 0 : i32
    %while3A_168 = arith.constant 625 : i32
    %while3A_169 = arith.subi %while3A_168, %while3A_167 : i32
    %while3A_170 = arith.addi %while3A_167, %while3A_169 : i32
    %while3A_171 = arith.constant 1 : i32
    %while3A_172 = arith.divsi %while3A_169, %while3A_171 : i32
    %while3A_173 = arith.muli %while3A_172, %while3A_171 : i32
    %while3A_174 = arith.addi %while3A_167, %while3A_173 : i32
    %while3A_175 = arith.constant 1 : i32
    scf.for %while3A_230 = %while3A_167 to %while3A_174 step %while3A_175  : i32 {
      %mul3A_231 = arith.constant 16 : i32
      %mul3A_232 = arith.muli %while3A_230, %mul3A_231 : i32
      %get3A = arith.index_cast %mul3A_232 : i32 to index
      %get3A_233 = tpu.vector_load %arg8[%get3A] {strides = array<i32>} : memref<10000xi32, #tpu.memory_space<vmem>>, vector<16xi32>,
      %get3A_234 = vector.shape_cast %get3A_233 : vector<16xi32> to vector<16xi32>
      %get3A_235 = arith.index_cast %mul3A_232 : i32 to index
      %get3A_236 = tpu.vector_load %arg11[%get3A_235] {strides = array<i32>} : memref<10000xi32, #tpu.memory_space<vmem>>, vector<16xi32>,
      %get3A_237 = vector.shape_cast %get3A_236 : vector<16xi32> to vector<16xi32>
      %shift_right_logical3A = vector.broadcast %while3A_162 : i32 to vector<16xi32>
      %shift_right_logical3A_238 = arith.shrui %get3A_237, %shift_right_logical3A : vector<16xi32>
      %mul3A_239 = vector.broadcast %while3A_163 : i32 to vector<16xi32>
      %mul3A_240 = arith.muli %shift_right_logical3A_238, %mul3A_239 : vector<16xi32>
      %and3A = vector.broadcast %while3A_164 : i32 to vector<16xi32>
      %and3A_241 = arith.andi %get3A_234, %and3A : vector<16xi32>
      %shift_left3A = vector.broadcast %while3A_165 : i32 to vector<16xi32>
      %shift_left3A_242 = arith.shli %and3A_241, %shift_left3A : vector<16xi32>
      %add3A_243 = arith.addi %mul3A_240, %shift_left3A_242 : vector<16xi32>
      %and3A_244 = vector.broadcast %while3A_166 : i32 to vector<16xi32>
      %and3A_245 = arith.andi %get3A_237, %and3A_244 : vector<16xi32>
      %add3A_246 = arith.addi %add3A_243, %and3A_245 : vector<16xi32>
      %bitcast_convert_type3A = tpu.bitcast %add3A_246 : vector<16xi32> -> vector<16xi32>
      %swap3A = arith.index_cast %mul3A_232 : i32 to index
      %swap3A_247 = tpu.vector_load %arg14[%swap3A] {strides = array<i32>} : memref<10000xi32, #tpu.memory_space<vmem>>, vector<16xi32>,
      %swap3A_248 = vector.shape_cast %swap3A_247 : vector<16xi32> to vector<16xi32>
      %swap3A_249 = vector.shape_cast %bitcast_convert_type3A : vector<16xi32> to vector<16xi32>
      tpu.vector_store %arg14[%swap3A], %swap3A_249 {strides = array<i32>} : memref<10000xi32, #tpu.memory_space<vmem>>, vector<16xi32>,
    }
    %while3A_176 = arith.constant 1 : i32
    scf.for %while3A_230 = %while3A_174 to %while3A_170 step %while3A_176  : i32 {
      %mul3A_231 = arith.constant 16 : i32
      %mul3A_232 = arith.muli %while3A_230, %mul3A_231 : i32
      %get3A = arith.index_cast %mul3A_232 : i32 to index
      %get3A_233 = tpu.vector_load %arg8[%get3A] {strides = array<i32>} : memref<10000xi32, #tpu.memory_space<vmem>>, vector<16xi32>,
      %get3A_234 = vector.shape_cast %get3A_233 : vector<16xi32> to vector<16xi32>
      %get3A_235 = arith.index_cast %mul3A_232 : i32 to index
      %get3A_236 = tpu.vector_load %arg11[%get3A_235] {strides = array<i32>} : memref<10000xi32, #tpu.memory_space<vmem>>, vector<16xi32>,
      %get3A_237 = vector.shape_cast %get3A_236 : vector<16xi32> to vector<16xi32>
      %shift_right_logical3A = vector.broadcast %while3A_162 : i32 to vector<16xi32>
      %shift_right_logical3A_238 = arith.shrui %get3A_237, %shift_right_logical3A : vector<16xi32>
      %mul3A_239 = vector.broadcast %while3A_163 : i32 to vector<16xi32>
      %mul3A_240 = arith.muli %shift_right_logical3A_238, %mul3A_239 : vector<16xi32>
      %and3A = vector.broadcast %while3A_164 : i32 to vector<16xi32>
      %and3A_241 = arith.andi %get3A_234, %and3A : vector<16xi32>
      %shift_left3A = vector.broadcast %while3A_165 : i32 to vector<16xi32>
      %shift_left3A_242 = arith.shli %and3A_241, %shift_left3A : vector<16xi32>
      %add3A_243 = arith.addi %mul3A_240, %shift_left3A_242 : vector<16xi32>
      %and3A_244 = vector.broadcast %while3A_166 : i32 to vector<16xi32>
      %and3A_245 = arith.andi %get3A_237, %and3A_244 : vector<16xi32>
      %add3A_246 = arith.addi %add3A_243, %and3A_245 : vector<16xi32>
      %bitcast_convert_type3A = tpu.bitcast %add3A_246 : vector<16xi32> -> vector<16xi32>
      %swap3A = arith.index_cast %mul3A_232 : i32 to index
      %swap3A_247 = tpu.vector_load %arg14[%swap3A] {strides = array<i32>} : memref<10000xi32, #tpu.memory_space<vmem>>, vector<16xi32>,
      %swap3A_248 = vector.shape_cast %swap3A_247 : vector<16xi32> to vector<16xi32>
      %swap3A_249 = vector.shape_cast %bitcast_convert_type3A : vector<16xi32> to vector<16xi32>
      tpu.vector_store %arg14[%swap3A], %swap3A_249 {strides = array<i32>} : memref<10000xi32, #tpu.memory_space<vmem>>, vector<16xi32>,
    }
    %dma_start3A_177 = arith.constant 0 : i32
    %dma_start3A_178 = tpu.memref_slice %arg5[%dma_start3A_177] : memref<52428800xi32, #tpu.memory_space<hbm>> -> memref<52428800xi32, #tpu.memory_space<hbm>>
    tpu.enqueue_indirect_dma source(%dma_start3A_178 : memref<52428800xi32, #tpu.memory_space<hbm>>) target(%arg17 : memref<10000xi32, #tpu.memory_space<vmem>>) offsets(%arg14 : memref<10000xi32, #tpu.memory_space<vmem>>) semaphore(%arg21 : memref<!tpu.dma_semaphore, #tpu.memory_space<semaphore_mem>>)
    %dma_wait3A_179 = arith.constant 0 : i32
    %dma_wait3A_180 = tpu.memref_slice %arg5[%dma_wait3A_179] : memref<52428800xi32, #tpu.memory_space<hbm>> -> memref<52428800xi32, #tpu.memory_space<hbm>>
    tpu.wait_indirect_dma semaphore(%arg19 : memref<!tpu.dma_semaphore, #tpu.memory_space<semaphore_mem>>) src(%dma_wait3A_180 : memref<52428800xi32, #tpu.memory_space<hbm>>) dst(%arg15 : memref<10000xi32, #tpu.memory_space<vmem>>)
    %while3A_181 = arith.constant 0 : i32
    %while3A_182 = arith.constant 1 : i32
    %while3A_183 = arith.constant 0 : i32
    %while3A_184 = arith.constant -65536 : i32
    %while3A_185 = arith.constant 16 : i32
    %while3A_186 = arith.constant 0 : i32
    %while3A_187 = arith.constant 625 : i32
    %while3A_188 = arith.subi %while3A_187, %while3A_186 : i32
    %while3A_189 = arith.addi %while3A_186, %while3A_188 : i32
    %while3A_190 = arith.constant 1 : i32
    %while3A_191 = arith.divsi %while3A_188, %while3A_190 : i32
    %while3A_192 = arith.muli %while3A_191, %while3A_190 : i32
    %while3A_193 = arith.addi %while3A_186, %while3A_192 : i32
    %while3A_194 = arith.constant 1 : i32
    scf.for %while3A_230 = %while3A_186 to %while3A_193 step %while3A_194  : i32 {
      %mul3A_231 = arith.constant 16 : i32
      %mul3A_232 = arith.muli %while3A_230, %mul3A_231 : i32
      %get3A = arith.index_cast %mul3A_232 : i32 to index
      %get3A_233 = tpu.vector_load %arg15[%get3A] {strides = array<i32>} : memref<10000xi32, #tpu.memory_space<vmem>>, vector<16xi32>,
      %get3A_234 = vector.shape_cast %get3A_233 : vector<16xi32> to vector<16xi32>
      %get3A_235 = arith.index_cast %mul3A_232 : i32 to index
      %get3A_236 = tpu.vector_load %arg8[%get3A_235] {strides = array<i32>} : memref<10000xi32, #tpu.memory_space<vmem>>, vector<16xi32>,
      %get3A_237 = vector.shape_cast %get3A_236 : vector<16xi32> to vector<16xi32>
      %and3A = vector.broadcast %while3A_182 : i32 to vector<16xi32>
      %and3A_238 = arith.andi %get3A_237, %and3A : vector<16xi32>
      %sub3A = vector.broadcast %while3A_183 : i32 to vector<16xi32>
      %sub3A_239 = arith.subi %sub3A, %and3A_238 : vector<16xi32>
      %and3A_240 = vector.broadcast %while3A_184 : i32 to vector<16xi32>
      %and3A_241 = arith.andi %get3A_234, %and3A_240 : vector<16xi32>
      %and3A_242 = arith.andi %and3A_241, %sub3A_239 : vector<16xi32>
      %shift_left3A = vector.broadcast %while3A_185 : i32 to vector<16xi32>
      %shift_left3A_243 = arith.shli %get3A_234, %shift_left3A : vector<16xi32>
      %not3A = arith.constant dense<-1> : vector<16xi32>
      %not3A_244 = arith.xori %sub3A_239, %not3A : vector<16xi32>
      %and3A_245 = arith.andi %shift_left3A_243, %not3A_244 : vector<16xi32>
      %or3A = arith.ori %and3A_242, %and3A_245 : vector<16xi32>
      %bitcast_convert_type3A = tpu.bitcast %or3A : vector<16xi32> -> vector<16xf32>
      %swap3A = arith.index_cast %mul3A_232 : i32 to index
      %swap3A_246 = tpu.vector_load %arg18[%swap3A] {strides = array<i32>} : memref<10000xf32, #tpu.memory_space<vmem>>, vector<16xf32>,
      %swap3A_247 = vector.shape_cast %swap3A_246 : vector<16xf32> to vector<16xf32>
      %swap3A_248 = vector.shape_cast %bitcast_convert_type3A : vector<16xf32> to vector<16xf32>
      tpu.vector_store %arg18[%swap3A], %swap3A_248 {strides = array<i32>} : memref<10000xf32, #tpu.memory_space<vmem>>, vector<16xf32>,
    }
    %while3A_195 = arith.constant 1 : i32
    scf.for %while3A_230 = %while3A_193 to %while3A_189 step %while3A_195  : i32 {
      %mul3A_231 = arith.constant 16 : i32
      %mul3A_232 = arith.muli %while3A_230, %mul3A_231 : i32
      %get3A = arith.index_cast %mul3A_232 : i32 to index
      %get3A_233 = tpu.vector_load %arg15[%get3A] {strides = array<i32>} : memref<10000xi32, #tpu.memory_space<vmem>>, vector<16xi32>,
      %get3A_234 = vector.shape_cast %get3A_233 : vector<16xi32> to vector<16xi32>
      %get3A_235 = arith.index_cast %mul3A_232 : i32 to index
      %get3A_236 = tpu.vector_load %arg8[%get3A_235] {strides = array<i32>} : memref<10000xi32, #tpu.memory_space<vmem>>, vector<16xi32>,
      %get3A_237 = vector.shape_cast %get3A_236 : vector<16xi32> to vector<16xi32>
      %and3A = vector.broadcast %while3A_182 : i32 to vector<16xi32>
      %and3A_238 = arith.andi %get3A_237, %and3A : vector<16xi32>
      %sub3A = vector.broadcast %while3A_183 : i32 to vector<16xi32>
      %sub3A_239 = arith.subi %sub3A, %and3A_238 : vector<16xi32>
      %and3A_240 = vector.broadcast %while3A_184 : i32 to vector<16xi32>
      %and3A_241 = arith.andi %get3A_234, %and3A_240 : vector<16xi32>
      %and3A_242 = arith.andi %and3A_241, %sub3A_239 : vector<16xi32>
      %shift_left3A = vector.broadcast %while3A_185 : i32 to vector<16xi32>
      %shift_left3A_243 = arith.shli %get3A_234, %shift_left3A : vector<16xi32>
      %not3A = arith.constant dense<-1> : vector<16xi32>
      %not3A_244 = arith.xori %sub3A_239, %not3A : vector<16xi32>
      %and3A_245 = arith.andi %shift_left3A_243, %not3A_244 : vector<16xi32>
      %or3A = arith.ori %and3A_242, %and3A_245 : vector<16xi32>
      %bitcast_convert_type3A = tpu.bitcast %or3A : vector<16xi32> -> vector<16xf32>
      %swap3A = arith.index_cast %mul3A_232 : i32 to index
      %swap3A_246 = tpu.vector_load %arg18[%swap3A] {strides = array<i32>} : memref<10000xf32, #tpu.memory_space<vmem>>, vector<16xf32>,
      %swap3A_247 = vector.shape_cast %swap3A_246 : vector<16xf32> to vector<16xf32>
      %swap3A_248 = vector.shape_cast %bitcast_convert_type3A : vector<16xf32> to vector<16xf32>
      tpu.vector_store %arg18[%swap3A], %swap3A_248 {strides = array<i32>} : memref<10000xf32, #tpu.memory_space<vmem>>, vector<16xf32>,
    }
    "tpu.region"() ({
      %run_scoped3A = tpu.sem_alloc : memref<!tpu.dma_semaphore, #tpu.memory_space<semaphore_mem>>
      %dma_start3A_230 = tpu.memref_slice %arg7[%add3A_14] : memref<1600000xf32, #tpu.memory_space<hbm>> -> memref<10000xf32, #tpu.memory_space<hbm>>
      %dma_start3A_231 = tpu.memref_slice %arg7[%add3A_14] : memref<1600000xf32, #tpu.memory_space<hbm>> -> memref<10000xf32, #tpu.memory_space<hbm>>
      tpu.enqueue_dma source(%arg18 : memref<10000xf32, #tpu.memory_space<vmem>>) target(%dma_start3A_231 : memref<10000xf32, #tpu.memory_space<hbm>>) target_semaphore(%run_scoped3A : memref<!tpu.dma_semaphore, #tpu.memory_space<semaphore_mem>>)
      %dma_wait3A_232 = tpu.memref_slice %arg7[%add3A_14] : memref<1600000xf32, #tpu.memory_space<hbm>> -> memref<10000xf32, #tpu.memory_space<hbm>>
      %dma_wait3A_233 = tpu.memref_slice %arg7[%add3A_14] : memref<1600000xf32, #tpu.memory_space<hbm>> -> memref<10000xf32, #tpu.memory_space<hbm>>
      tpu.wait_dma2 semaphore(%run_scoped3A : memref<!tpu.dma_semaphore, #tpu.memory_space<semaphore_mem>>) src(%arg18 : memref<10000xf32, #tpu.memory_space<vmem>>) dst(%dma_wait3A_233 : memref<10000xf32, #tpu.memory_space<hbm>>)
      tpu.yield
    }) : () -> ()
    %dma_wait3A_196 = arith.constant 0 : i32
    %dma_wait3A_197 = tpu.memref_slice %arg5[%dma_wait3A_196] : memref<52428800xi32, #tpu.memory_space<hbm>> -> memref<52428800xi32, #tpu.memory_space<hbm>>
    tpu.wait_indirect_dma semaphore(%arg20 : memref<!tpu.dma_semaphore, #tpu.memory_space<semaphore_mem>>) src(%dma_wait3A_197 : memref<52428800xi32, #tpu.memory_space<hbm>>) dst(%arg16 : memref<10000xi32, #tpu.memory_space<vmem>>)
    %while3A_198 = arith.constant 0 : i32
    %while3A_199 = arith.constant 1 : i32
    %while3A_200 = arith.constant 0 : i32
    %while3A_201 = arith.constant -65536 : i32
    %while3A_202 = arith.constant 16 : i32
    %while3A_203 = arith.constant 0 : i32
    %while3A_204 = arith.constant 625 : i32
    %while3A_205 = arith.subi %while3A_204, %while3A_203 : i32
    %while3A_206 = arith.addi %while3A_203, %while3A_205 : i32
    %while3A_207 = arith.constant 1 : i32
    %while3A_208 = arith.divsi %while3A_205, %while3A_207 : i32
    %while3A_209 = arith.muli %while3A_208, %while3A_207 : i32
    %while3A_210 = arith.addi %while3A_203, %while3A_209 : i32
    %while3A_211 = arith.constant 1 : i32
    scf.for %while3A_230 = %while3A_203 to %while3A_210 step %while3A_211  : i32 {
      %mul3A_231 = arith.constant 16 : i32
      %mul3A_232 = arith.muli %while3A_230, %mul3A_231 : i32
      %get3A = arith.index_cast %mul3A_232 : i32 to index
      %get3A_233 = tpu.vector_load %arg16[%get3A] {strides = array<i32>} : memref<10000xi32, #tpu.memory_space<vmem>>, vector<16xi32>,
      %get3A_234 = vector.shape_cast %get3A_233 : vector<16xi32> to vector<16xi32>
      %get3A_235 = arith.index_cast %mul3A_232 : i32 to index
      %get3A_236 = tpu.vector_load %arg8[%get3A_235] {strides = array<i32>} : memref<10000xi32, #tpu.memory_space<vmem>>, vector<16xi32>,
      %get3A_237 = vector.shape_cast %get3A_236 : vector<16xi32> to vector<16xi32>
      %and3A = vector.broadcast %while3A_199 : i32 to vector<16xi32>
      %and3A_238 = arith.andi %get3A_237, %and3A : vector<16xi32>
      %sub3A = vector.broadcast %while3A_200 : i32 to vector<16xi32>
      %sub3A_239 = arith.subi %sub3A, %and3A_238 : vector<16xi32>
      %and3A_240 = vector.broadcast %while3A_201 : i32 to vector<16xi32>
      %and3A_241 = arith.andi %get3A_234, %and3A_240 : vector<16xi32>
      %and3A_242 = arith.andi %and3A_241, %sub3A_239 : vector<16xi32>
      %shift_left3A = vector.broadcast %while3A_202 : i32 to vector<16xi32>
      %shift_left3A_243 = arith.shli %get3A_234, %shift_left3A : vector<16xi32>
      %not3A = arith.constant dense<-1> : vector<16xi32>
      %not3A_244 = arith.xori %sub3A_239, %not3A : vector<16xi32>
      %and3A_245 = arith.andi %shift_left3A_243, %not3A_244 : vector<16xi32>
      %or3A = arith.ori %and3A_242, %and3A_245 : vector<16xi32>
      %bitcast_convert_type3A = tpu.bitcast %or3A : vector<16xi32> -> vector<16xf32>
      %swap3A = arith.index_cast %mul3A_232 : i32 to index
      %swap3A_246 = tpu.vector_load %arg18[%swap3A] {strides = array<i32>} : memref<10000xf32, #tpu.memory_space<vmem>>, vector<16xf32>,
      %swap3A_247 = vector.shape_cast %swap3A_246 : vector<16xf32> to vector<16xf32>
      %swap3A_248 = vector.shape_cast %bitcast_convert_type3A : vector<16xf32> to vector<16xf32>
      tpu.vector_store %arg18[%swap3A], %swap3A_248 {strides = array<i32>} : memref<10000xf32, #tpu.memory_space<vmem>>, vector<16xf32>,
    }
    %while3A_212 = arith.constant 1 : i32
    scf.for %while3A_230 = %while3A_210 to %while3A_206 step %while3A_212  : i32 {
      %mul3A_231 = arith.constant 16 : i32
      %mul3A_232 = arith.muli %while3A_230, %mul3A_231 : i32
      %get3A = arith.index_cast %mul3A_232 : i32 to index
      %get3A_233 = tpu.vector_load %arg16[%get3A] {strides = array<i32>} : memref<10000xi32, #tpu.memory_space<vmem>>, vector<16xi32>,
      %get3A_234 = vector.shape_cast %get3A_233 : vector<16xi32> to vector<16xi32>
      %get3A_235 = arith.index_cast %mul3A_232 : i32 to index
      %get3A_236 = tpu.vector_load %arg8[%get3A_235] {strides = array<i32>} : memref<10000xi32, #tpu.memory_space<vmem>>, vector<16xi32>,
      %get3A_237 = vector.shape_cast %get3A_236 : vector<16xi32> to vector<16xi32>
      %and3A = vector.broadcast %while3A_199 : i32 to vector<16xi32>
      %and3A_238 = arith.andi %get3A_237, %and3A : vector<16xi32>
      %sub3A = vector.broadcast %while3A_200 : i32 to vector<16xi32>
      %sub3A_239 = arith.subi %sub3A, %and3A_238 : vector<16xi32>
      %and3A_240 = vector.broadcast %while3A_201 : i32 to vector<16xi32>
      %and3A_241 = arith.andi %get3A_234, %and3A_240 : vector<16xi32>
      %and3A_242 = arith.andi %and3A_241, %sub3A_239 : vector<16xi32>
      %shift_left3A = vector.broadcast %while3A_202 : i32 to vector<16xi32>
      %shift_left3A_243 = arith.shli %get3A_234, %shift_left3A : vector<16xi32>
      %not3A = arith.constant dense<-1> : vector<16xi32>
      %not3A_244 = arith.xori %sub3A_239, %not3A : vector<16xi32>
      %and3A_245 = arith.andi %shift_left3A_243, %not3A_244 : vector<16xi32>
      %or3A = arith.ori %and3A_242, %and3A_245 : vector<16xi32>
      %bitcast_convert_type3A = tpu.bitcast %or3A : vector<16xi32> -> vector<16xf32>
      %swap3A = arith.index_cast %mul3A_232 : i32 to index
      %swap3A_246 = tpu.vector_load %arg18[%swap3A] {strides = array<i32>} : memref<10000xf32, #tpu.memory_space<vmem>>, vector<16xf32>,
      %swap3A_247 = vector.shape_cast %swap3A_246 : vector<16xf32> to vector<16xf32>
      %swap3A_248 = vector.shape_cast %bitcast_convert_type3A : vector<16xf32> to vector<16xf32>
      tpu.vector_store %arg18[%swap3A], %swap3A_248 {strides = array<i32>} : memref<10000xf32, #tpu.memory_space<vmem>>, vector<16xf32>,
    }
    "tpu.region"() ({
      %run_scoped3A = tpu.sem_alloc : memref<!tpu.dma_semaphore, #tpu.memory_space<semaphore_mem>>
      %dma_start3A_230 = tpu.memref_slice %arg7[%add3A_18] : memref<1600000xf32, #tpu.memory_space<hbm>> -> memref<10000xf32, #tpu.memory_space<hbm>>
      %dma_start3A_231 = tpu.memref_slice %arg7[%add3A_18] : memref<1600000xf32, #tpu.memory_space<hbm>> -> memref<10000xf32, #tpu.memory_space<hbm>>
      tpu.enqueue_dma source(%arg18 : memref<10000xf32, #tpu.memory_space<vmem>>) target(%dma_start3A_231 : memref<10000xf32, #tpu.memory_space<hbm>>) target_semaphore(%run_scoped3A : memref<!tpu.dma_semaphore, #tpu.memory_space<semaphore_mem>>)
      %dma_wait3A_232 = tpu.memref_slice %arg7[%add3A_18] : memref<1600000xf32, #tpu.memory_space<hbm>> -> memref<10000xf32, #tpu.memory_space<hbm>>
      %dma_wait3A_233 = tpu.memref_slice %arg7[%add3A_18] : memref<1600000xf32, #tpu.memory_space<hbm>> -> memref<10000xf32, #tpu.memory_space<hbm>>
      tpu.wait_dma2 semaphore(%run_scoped3A : memref<!tpu.dma_semaphore, #tpu.memory_space<semaphore_mem>>) src(%arg18 : memref<10000xf32, #tpu.memory_space<vmem>>) dst(%dma_wait3A_233 : memref<10000xf32, #tpu.memory_space<hbm>>)
      tpu.yield
    }) : () -> ()
    %dma_wait3A_213 = arith.constant 0 : i32
    %dma_wait3A_214 = tpu.memref_slice %arg5[%dma_wait3A_213] : memref<52428800xi32, #tpu.memory_space<hbm>> -> memref<52428800xi32, #tpu.memory_space<hbm>>
    tpu.wait_indirect_dma semaphore(%arg21 : memref<!tpu.dma_semaphore, #tpu.memory_space<semaphore_mem>>) src(%dma_wait3A_214 : memref<52428800xi32, #tpu.memory_space<hbm>>) dst(%arg17 : memref<10000xi32, #tpu.memory_space<vmem>>)
    %while3A_215 = arith.constant 0 : i32
    %while3A_216 = arith.constant 1 : i32
    %while3A_217 = arith.constant 0 : i32
    %while3A_218 = arith.constant -65536 : i32
    %while3A_219 = arith.constant 16 : i32
    %while3A_220 = arith.constant 0 : i32
    %while3A_221 = arith.constant 625 : i32
    %while3A_222 = arith.subi %while3A_221, %while3A_220 : i32
    %while3A_223 = arith.addi %while3A_220, %while3A_222 : i32
    %while3A_224 = arith.constant 1 : i32
    %while3A_225 = arith.divsi %while3A_222, %while3A_224 : i32
    %while3A_226 = arith.muli %while3A_225, %while3A_224 : i32
    %while3A_227 = arith.addi %while3A_220, %while3A_226 : i32
    %while3A_228 = arith.constant 1 : i32
    scf.for %while3A_230 = %while3A_220 to %while3A_227 step %while3A_228  : i32 {
      %mul3A_231 = arith.constant 16 : i32
      %mul3A_232 = arith.muli %while3A_230, %mul3A_231 : i32
      %get3A = arith.index_cast %mul3A_232 : i32 to index
      %get3A_233 = tpu.vector_load %arg17[%get3A] {strides = array<i32>} : memref<10000xi32, #tpu.memory_space<vmem>>, vector<16xi32>,
      %get3A_234 = vector.shape_cast %get3A_233 : vector<16xi32> to vector<16xi32>
      %get3A_235 = arith.index_cast %mul3A_232 : i32 to index
      %get3A_236 = tpu.vector_load %arg8[%get3A_235] {strides = array<i32>} : memref<10000xi32, #tpu.memory_space<vmem>>, vector<16xi32>,
      %get3A_237 = vector.shape_cast %get3A_236 : vector<16xi32> to vector<16xi32>
      %and3A = vector.broadcast %while3A_216 : i32 to vector<16xi32>
      %and3A_238 = arith.andi %get3A_237, %and3A : vector<16xi32>
      %sub3A = vector.broadcast %while3A_217 : i32 to vector<16xi32>
      %sub3A_239 = arith.subi %sub3A, %and3A_238 : vector<16xi32>
      %and3A_240 = vector.broadcast %while3A_218 : i32 to vector<16xi32>
      %and3A_241 = arith.andi %get3A_234, %and3A_240 : vector<16xi32>
      %and3A_242 = arith.andi %and3A_241, %sub3A_239 : vector<16xi32>
      %shift_left3A = vector.broadcast %while3A_219 : i32 to vector<16xi32>
      %shift_left3A_243 = arith.shli %get3A_234, %shift_left3A : vector<16xi32>
      %not3A = arith.constant dense<-1> : vector<16xi32>
      %not3A_244 = arith.xori %sub3A_239, %not3A : vector<16xi32>
      %and3A_245 = arith.andi %shift_left3A_243, %not3A_244 : vector<16xi32>
      %or3A = arith.ori %and3A_242, %and3A_245 : vector<16xi32>
      %bitcast_convert_type3A = tpu.bitcast %or3A : vector<16xi32> -> vector<16xf32>
      %swap3A = arith.index_cast %mul3A_232 : i32 to index
      %swap3A_246 = tpu.vector_load %arg18[%swap3A] {strides = array<i32>} : memref<10000xf32, #tpu.memory_space<vmem>>, vector<16xf32>,
      %swap3A_247 = vector.shape_cast %swap3A_246 : vector<16xf32> to vector<16xf32>
      %swap3A_248 = vector.shape_cast %bitcast_convert_type3A : vector<16xf32> to vector<16xf32>
      tpu.vector_store %arg18[%swap3A], %swap3A_248 {strides = array<i32>} : memref<10000xf32, #tpu.memory_space<vmem>>, vector<16xf32>,
    }
    %while3A_229 = arith.constant 1 : i32
    scf.for %while3A_230 = %while3A_227 to %while3A_223 step %while3A_229  : i32 {
      %mul3A_231 = arith.constant 16 : i32
      %mul3A_232 = arith.muli %while3A_230, %mul3A_231 : i32
      %get3A = arith.index_cast %mul3A_232 : i32 to index
      %get3A_233 = tpu.vector_load %arg17[%get3A] {strides = array<i32>} : memref<10000xi32, #tpu.memory_space<vmem>>, vector<16xi32>,
      %get3A_234 = vector.shape_cast %get3A_233 : vector<16xi32> to vector<16xi32>
      %get3A_235 = arith.index_cast %mul3A_232 : i32 to index
      %get3A_236 = tpu.vector_load %arg8[%get3A_235] {strides = array<i32>} : memref<10000xi32, #tpu.memory_space<vmem>>, vector<16xi32>,
      %get3A_237 = vector.shape_cast %get3A_236 : vector<16xi32> to vector<16xi32>
      %and3A = vector.broadcast %while3A_216 : i32 to vector<16xi32>
      %and3A_238 = arith.andi %get3A_237, %and3A : vector<16xi32>
      %sub3A = vector.broadcast %while3A_217 : i32 to vector<16xi32>
      %sub3A_239 = arith.subi %sub3A, %and3A_238 : vector<16xi32>
      %and3A_240 = vector.broadcast %while3A_218 : i32 to vector<16xi32>
      %and3A_241 = arith.andi %get3A_234, %and3A_240 : vector<16xi32>
      %and3A_242 = arith.andi %and3A_241, %sub3A_239 : vector<16xi32>
      %shift_left3A = vector.broadcast %while3A_219 : i32 to vector<16xi32>
      %shift_left3A_243 = arith.shli %get3A_234, %shift_left3A : vector<16xi32>
      %not3A = arith.constant dense<-1> : vector<16xi32>
      %not3A_244 = arith.xori %sub3A_239, %not3A : vector<16xi32>
      %and3A_245 = arith.andi %shift_left3A_243, %not3A_244 : vector<16xi32>
      %or3A = arith.ori %and3A_242, %and3A_245 : vector<16xi32>
      %bitcast_convert_type3A = tpu.bitcast %or3A : vector<16xi32> -> vector<16xf32>
      %swap3A = arith.index_cast %mul3A_232 : i32 to index
      %swap3A_246 = tpu.vector_load %arg18[%swap3A] {strides = array<i32>} : memref<10000xf32, #tpu.memory_space<vmem>>, vector<16xf32>,
      %swap3A_247 = vector.shape_cast %swap3A_246 : vector<16xf32> to vector<16xf32>
      %swap3A_248 = vector.shape_cast %bitcast_convert_type3A : vector<16xf32> to vector<16xf32>
      tpu.vector_store %arg18[%swap3A], %swap3A_248 {strides = array<i32>} : memref<10000xf32, #tpu.memory_space<vmem>>, vector<16xf32>,
    }
    "tpu.region"() ({
      %run_scoped3A = tpu.sem_alloc : memref<!tpu.dma_semaphore, #tpu.memory_space<semaphore_mem>>
      %dma_start3A_230 = tpu.memref_slice %arg7[%add3A_22] : memref<1600000xf32, #tpu.memory_space<hbm>> -> memref<10000xf32, #tpu.memory_space<hbm>>
      %dma_start3A_231 = tpu.memref_slice %arg7[%add3A_22] : memref<1600000xf32, #tpu.memory_space<hbm>> -> memref<10000xf32, #tpu.memory_space<hbm>>
      tpu.enqueue_dma source(%arg18 : memref<10000xf32, #tpu.memory_space<vmem>>) target(%dma_start3A_231 : memref<10000xf32, #tpu.memory_space<hbm>>) target_semaphore(%run_scoped3A : memref<!tpu.dma_semaphore, #tpu.memory_space<semaphore_mem>>)
      %dma_wait3A_232 = tpu.memref_slice %arg7[%add3A_22] : memref<1600000xf32, #tpu.memory_space<hbm>> -> memref<10000xf32, #tpu.memory_space<hbm>>
      %dma_wait3A_233 = tpu.memref_slice %arg7[%add3A_22] : memref<1600000xf32, #tpu.memory_space<hbm>> -> memref<10000xf32, #tpu.memory_space<hbm>>
      tpu.wait_dma2 semaphore(%run_scoped3A : memref<!tpu.dma_semaphore, #tpu.memory_space<semaphore_mem>>) src(%arg18 : memref<10000xf32, #tpu.memory_space<vmem>>) dst(%dma_wait3A_233 : memref<10000xf32, #tpu.memory_space<hbm>>)
      tpu.yield
    }) : () -> ()
    return
  }
}

module attributes {stable_mosaic.version = 14 : i64} {
  func.func @_gram_body(%arg0: i32, %arg1: memref<10240x128xbf16, #tpu.memory_space<vmem>>, %arg2: memref<5120x128xbf16, #tpu.memory_space<vmem>>, %arg3: memref<5120x128xbf16, #tpu.memory_space<vmem>>, %arg4: memref<5120x128xi32, #tpu.memory_space<vmem>>) attributes {dimension_semantics = [#tpu.dimension_semantics<arbitrary>], iteration_bounds = array<i64: 80>, scalar_prefetch = 0 : i64, scratch_operands = 0 : i64, tpu.core_type = #tpu.core_type<tc>, window_params = [{pipeline_mode = #tpu.pipeline_mode<synchronous>, transform_indices = @transform_0, window_bounds = array<i64: 10240, 128>}, {pipeline_mode = #tpu.pipeline_mode<synchronous>, transform_indices = @transform_1, window_bounds = array<i64: 5120, 128>}, {pipeline_mode = #tpu.pipeline_mode<synchronous>, transform_indices = @transform_2, window_bounds = array<i64: 5120, 128>}, {transform_indices = @transform_3, window_bounds = array<i64: 5120, 128>}]} {
    %mul3A = arith.constant 128 : i32
    %mul3A_0 = arith.muli %arg0, %mul3A : i32
    %get3A = arith.index_cast %mul3A_0 : i32 to index
    %get3A_1 = arith.constant 0 : index
    %get3A_2 = vector.load %arg1[%get3A, %get3A_1] : memref<10240x128xbf16, #tpu.memory_space<vmem>>, vector<128x128xbf16>
    %get3A_3 = arith.constant 0 : index
    %get3A_4 = arith.constant 0 : index
    %get3A_5 = vector.load %arg2[%get3A_3, %get3A_4] : memref<5120x128xbf16, #tpu.memory_space<vmem>>, vector<5120x128xbf16>
    %dot_general3A = arith.constant dense<0.000000e+00> : vector<5120x128xf32>
    %dot_general3A_6 = tpu.matmul %get3A_5, %get3A_2, %dot_general3A {dimension_numbers = #tpu.dot_dimension_numbers<[1], [1], [0], [0], [0, 0, 1, 0], [], []>, transpose_lhs_hint = false} : vector<5120x128xbf16>, vector<128x128xbf16>, vector<5120x128xf32> -> vector<5120x128xf32>
    %get3A_7 = arith.constant 0 : index
    %get3A_8 = arith.constant 0 : index
    %get3A_9 = vector.load %arg3[%get3A_7, %get3A_8] : memref<5120x128xbf16, #tpu.memory_space<vmem>>, vector<5120x128xbf16>
    %dot_general3A_10 = arith.constant dense<0.000000e+00> : vector<5120x128xf32>
    %dot_general3A_11 = tpu.matmul %get3A_9, %get3A_2, %dot_general3A_10 {dimension_numbers = #tpu.dot_dimension_numbers<[1], [1], [0], [0], [0, 0, 1, 0], [], []>, transpose_lhs_hint = false} : vector<5120x128xbf16>, vector<128x128xbf16>, vector<5120x128xf32> -> vector<5120x128xf32>
    %bitcast_convert_type3A = tpu.bitcast %dot_general3A_6 : vector<5120x128xf32> -> vector<5120x128xi32>
    %add3A = arith.constant 32768 : i32
    %add3A_12 = vector.broadcast %add3A : i32 to vector<5120x128xi32>
    %add3A_13 = arith.addi %bitcast_convert_type3A, %add3A_12 : vector<5120x128xi32>
    %bitcast_convert_type3A_14 = tpu.bitcast %dot_general3A_11 : vector<5120x128xf32> -> vector<5120x128xi32>
    %add3A_15 = arith.constant 32768 : i32
    %add3A_16 = vector.broadcast %add3A_15 : i32 to vector<5120x128xi32>
    %add3A_17 = arith.addi %bitcast_convert_type3A_14, %add3A_16 : vector<5120x128xi32>
    %shift_right_logical3A = arith.constant 16 : i32
    %shift_right_logical3A_18 = vector.broadcast %shift_right_logical3A : i32 to vector<5120x128xi32>
    %shift_right_logical3A_19 = arith.shrui %add3A_13, %shift_right_logical3A_18 : vector<5120x128xi32>
    %and3A = arith.constant -65536 : i32
    %and3A_20 = vector.broadcast %and3A : i32 to vector<5120x128xi32>
    %and3A_21 = arith.andi %add3A_17, %and3A_20 : vector<5120x128xi32>
    %or3A = arith.ori %shift_right_logical3A_19, %and3A_21 : vector<5120x128xi32>
    %bitcast_convert_type3A_22 = tpu.bitcast %or3A : vector<5120x128xi32> -> vector<5120x128xi32>
    %swap3A = arith.constant 0 : index
    %swap3A_23 = arith.constant 0 : index
    %swap3A_24 = vector.load %arg4[%swap3A, %swap3A_23] : memref<5120x128xi32, #tpu.memory_space<vmem>>, vector<5120x128xi32>
    tpu.vector_store %arg4[%swap3A, %swap3A_23], %bitcast_convert_type3A_22 {strides = array<i32>} : memref<5120x128xi32, #tpu.memory_space<vmem>>, vector<5120x128xi32>,
    return
  }
  func.func @transform_0(%arg0: i32) -> (i32, i32) {
    %c0_i32 = arith.constant 0 : i32
    %c0_i32_0 = arith.constant 0 : i32
    %c0_i32_1 = arith.constant 0 : i32
    return %c0_i32, %c0_i32_0 : i32, i32
  }
  func.func @transform_1(%arg0: i32) -> (i32, i32) {
    %c0_i32 = arith.constant 0 : i32
    %c0_i32_0 = arith.constant 0 : i32
    %c0_i32_1 = arith.constant 0 : i32
    return %c0_i32, %c0_i32_0 : i32, i32
  }
  func.func @transform_2(%arg0: i32) -> (i32, i32) {
    %c0_i32 = arith.constant 0 : i32
    %c0_i32_0 = arith.constant 0 : i32
    %c0_i32_1 = arith.constant 0 : i32
    return %c0_i32, %c0_i32_0 : i32, i32
  }
  func.func @transform_3(%arg0: i32) -> (i32, i32) {
    %c0_i32 = arith.constant 0 : i32
    %c0_i32_0 = arith.constant 0 : i32
    return %arg0, %c0_i32 : i32, i32
  }
}

module attributes {stable_mosaic.version = 14 : i64} {
  func.func @_loss_body(%arg0: memref<1xf32, #tpu.memory_space<smem>>, %arg1: memref<2500x128xf32, #tpu.memory_space<vmem>>, %arg2: memref<12500x128xf32, #tpu.memory_space<vmem>>, %arg3: memref<1x1xf32, #tpu.memory_space<smem>>) attributes {dimension_semantics = [], scalar_prefetch = 0 : i64, scratch_operands = 0 : i64, tpu.core_type = #tpu.core_type<tc>} {
    %get3A = arith.constant 0 : index
    %get3A_0 = arith.constant 0 : index
    %get3A_1 = vector.load %arg1[%get3A, %get3A_0] : memref<2500x128xf32, #tpu.memory_space<vmem>>, vector<2500x128xf32>
    %get3A_2 = arith.constant 0 : index
    %get3A_3 = arith.constant 0 : index
    %get3A_4 = vector.load %arg2[%get3A_2, %get3A_3] : memref<12500x128xf32, #tpu.memory_space<vmem>>, vector<12500x128xf32>
    %neg3A = arith.constant 0.000000e+00 : f32
    %neg3A_5 = vector.broadcast %neg3A : f32 to vector<2500x128xf32>
    %neg3A_6 = arith.subf %neg3A_5, %get3A_1 : vector<2500x128xf32>
    %max3A = arith.constant 0.000000e+00 : f32
    %max3A_7 = vector.broadcast %max3A : f32 to vector<2500x128xf32>
    %max3A_8 = arith.maximumf %neg3A_6, %max3A_7 : vector<2500x128xf32>
    %abs3A = math.absf %get3A_1 : vector<2500x128xf32>
    %neg3A_9 = arith.constant 0.000000e+00 : f32
    %neg3A_10 = vector.broadcast %neg3A_9 : f32 to vector<2500x128xf32>
    %neg3A_11 = arith.subf %neg3A_10, %abs3A : vector<2500x128xf32>
    %exp3A = math.exp %neg3A_11 : vector<2500x128xf32>
    %log1p3A = math.log1p %exp3A : vector<2500x128xf32>
    %add3A = arith.addf %max3A_8, %log1p3A : vector<2500x128xf32>
    %reduce_sum3A = vector.shape_cast %add3A : vector<2500x128xf32> to vector<1x2500x128xf32>
    %reduce_sum3A_12 = arith.constant dense<0.000000e+00> : vector<1xf32>
    %reduce_sum3A_13 = vector.multi_reduction <add>, %reduce_sum3A, %reduce_sum3A_12 [1, 2] : vector<1x2500x128xf32> to vector<1xf32>
    %reduce_sum3A_14 = vector.shape_cast %reduce_sum3A_13 : vector<1xf32> to vector<1x1x1xf32>
    %reduce_sum3A_15 = vector.extract %reduce_sum3A_14[0, 0, 0] : f32 from vector<1x1x1xf32>
    %max3A_16 = arith.constant 0.000000e+00 : f32
    %max3A_17 = vector.broadcast %max3A_16 : f32 to vector<12500x128xf32>
    %max3A_18 = arith.maximumf %get3A_4, %max3A_17 : vector<12500x128xf32>
    %abs3A_19 = math.absf %get3A_4 : vector<12500x128xf32>
    %neg3A_20 = arith.constant 0.000000e+00 : f32
    %neg3A_21 = vector.broadcast %neg3A_20 : f32 to vector<12500x128xf32>
    %neg3A_22 = arith.subf %neg3A_21, %abs3A_19 : vector<12500x128xf32>
    %exp3A_23 = math.exp %neg3A_22 : vector<12500x128xf32>
    %log1p3A_24 = math.log1p %exp3A_23 : vector<12500x128xf32>
    %add3A_25 = arith.addf %max3A_18, %log1p3A_24 : vector<12500x128xf32>
    %reduce_sum3A_26 = vector.shape_cast %add3A_25 : vector<12500x128xf32> to vector<1x12500x128xf32>
    %reduce_sum3A_27 = arith.constant dense<0.000000e+00> : vector<1xf32>
    %reduce_sum3A_28 = vector.multi_reduction <add>, %reduce_sum3A_26, %reduce_sum3A_27 [1, 2] : vector<1x12500x128xf32> to vector<1xf32>
    %reduce_sum3A_29 = vector.shape_cast %reduce_sum3A_28 : vector<1xf32> to vector<1x1x1xf32>
    %reduce_sum3A_30 = vector.extract %reduce_sum3A_29[0, 0, 0] : f32 from vector<1x1x1xf32>
    %add3A_31 = arith.addf %reduce_sum3A_15, %reduce_sum3A_30 : f32
    %get3A_32 = arith.constant 0 : index
    %get3A_33 = memref.load %arg0[%get3A_32] : memref<1xf32, #tpu.memory_space<smem>>
    %mul3A = arith.mulf %add3A_31, %get3A_33 : f32
    %swap3A = arith.constant 0 : index
    %swap3A_34 = arith.constant 0 : index
    %swap3A_35 = memref.load %arg3[%swap3A, %swap3A_34] : memref<1x1xf32, #tpu.memory_space<smem>>
    memref.store %mul3A, %arg3[%swap3A, %swap3A_34] : memref<1x1xf32, #tpu.memory_space<smem>>
    return
  }
}

</mosaic_0001>

<sc_bundles>
// kernel: kernel.5.cloned.1.call-start
scs
__scs_entry_jumppad:
0x0: {  	(pc) =	sbr.rel $0x88, $3  }
0x1: {  	(tag) =	ssettag $0x0;
	lr =	simm.s32 $0x1  }
0x2: {  	[smem:$0x3F9E] =	sst lr;
	_ =	strace $0xD0000000  }
0x3: {  	_ = 	snop  }
0x4: {  	_ = 	snop  }
0x5: {  	_ = 	snop  }
0x6: {  	_ = 	snop  }
0x7: {  	_ = 	snop  }
__scs_overlays_trampoline_lowered:
0x8: {  	[smem:$0x3FAD] =	sst s0  }
0x9: {  	[smem:$0x3FAE] =	sst s1  }
0xa: {  	[smem:$0x3FAF] =	sst s2  }
0xb: {  	[smem:$0x3FB0] =	sst s3  }
0xc: {  	[smem:$0x3FB1] =	sst s4  }
0xd: {  	[smem:$0x3FB2] =	sst s5  }
0xe: {  	[smem:$0x3FB3] =	sst s6  }
0xf: {  	[smem:$0x3FB4] =	sst s7  }
0x10: {  	[smem:$0x3FB5] =	sst s8  }
0x11: {  	[smem:$0x3FB6] =	sst s9;
	s0 =	simm.s32 @!p0 $0x0  }
0x12: {  	s1 =	sld [smem:$0x3F9C];
	s0 =	simm.s32 @p0 $0x1  }
0x13: {  	[smem:$0x3FB7] =	sst s0;
	s0 =	simm.s32 @!p1 $0x0  }
0x14: {  	s2 =	sld [smem:$0x3F9B];
	s0 =	simm.s32 @p1 $0x1  }
0x15: {  	[smem:$0x3FB8] =	sst s0;
	s0 =	simm.s32 @!p2 $0x0  }
0x16: {  	s3 =	sld [smem:$0x3FDB];
	s0 =	simm.s32 @p2 $0x1  }
0x17: {  	s4 =	simm.s32 $0x1BF5;
	[smem:$0x3FBA] =	sst s0  }
0x18: {  	s0 =	sld [smem:$0x3F9D];
	_ =	swait.ge [sflag:s4], $0x0  }
0x19: {  	s7 =	sld [smem:$0x3F9E]  }
0x1a: {  	s8 =	sadd.s32 $0xFFFFE003, lr  }
0x1b: {  	s9 =	sadd.s32 $0xFFFFFEF7, lr;
	s5 =	simm.s32 $0xFFFFFFFF;
	p2 =	slt.u32 s8, $0xFFFFF086  }
0x1c: {  	p1 =	slt.u32 s9, $0xF7A;
	s5 =	simm.s32 @!p2 $0x0  }
0x1d: {  	s5 =	simm.s32 @p1 $0x1;
	p0 =	seq.s32 s7, s2  }
0x1e: {  	s7 =	smul.u32 @!p0 $0xF7A, s2;
	p2 =	seq.s32 @!p0 s5, $0x0  }
0x1f: {  	s9 =	smul.u32 $0xF7A, s1;
	s8 =	simm.s32 @!p0 $0x1BF5;
	p2 =	por !p2, p0  }
0x20: {  	[sflag:s8] =	ssyncset.s32 @!p0 $0xFFFFF086;
	s6 =	sadd.s32 @!p0 s3, s7;
	s7 =	simm.s32 @!p0 $0x108  }
0x21: {  	s3 =	sadd.s32 s3, s9;
	s6 =	sadd.s32 @!p0 $0x88, s6;
	s7 =	simm.s32 @p2 $0x1082  }
0x22: {  	[simem:s7], [sflag:s8] =	dma.local @!p0 [hbm:s6], $0xF7A  }
0x23: {  	s9 =	sor.u32 $0xD0000000, s2;
	s6 =	simm.s32 $0x108;
	_ =	swait.ge @!p0 [sflag:s8], $0x0  }
0x24: {  	s3 =	sadd.s32 $0x88, s3;
	s6 =	simm.s32 @!p1 $0x1082;
	[sflag:s4] =	ssyncset.s32 $0xFFFFF086  }
0x25: {  	[simem:s6], [sflag:s4] =	dma.local [hbm:s3], $0xF7A  }
0x26: {  	[smem:$0x3F9E] =	sst s1;
	(tag) =	ssettag s2;
	_ =	strace s9  }
0x27: {  	s1 =	sld [smem:$0x3FAE]  }
0x28: {  	s2 =	sld [smem:$0x3FAF]  }
0x29: {  	s4 =	sld [smem:$0x3FB1]  }
0x2a: {  	p0 =	seq.s32 s5, $0x0;
	s5 =	sld [smem:$0x3FB2]  }
0x2b: {  	s6 =	sld [smem:$0x3FB3]  }
0x2c: {  	s7 =	sld [smem:$0x3FB4]  }
0x2d: {  	s3 =	simm.s32 $0x108;
	s8 =	sld [smem:$0x3FB5]  }
0x2e: {  	s3 =	simm.s32 @!p0 $0x1082;
	s9 =	sld [smem:$0x3FB6]  }
0x2f: {  	lr =	sadd.s32 s0, s3;
	s0 =	sld [smem:$0x3FAD]  }
0x30: {  	s3 =	sld [smem:$0x3FB0]  }
0x31: {  	[smem:$0x3FB9] =	sst s10  }
0x32: {  	s10 =	sld [smem:$0x3FB7];
	_ =	sdelay $0x3  }
0x33: {  	p0 =	seq.s32 s10, $0x1;
	s10 =	sld [smem:$0x3FB9];
	_ =	sdelay $0x3  }
0x34: {  	[smem:$0x3FB9] =	sst s10  }
0x35: {  	s10 =	sld [smem:$0x3FB8];
	_ =	sdelay $0x3  }
0x36: {  	p1 =	seq.s32 s10, $0x1;
	s10 =	sld [smem:$0x3FB9];
	_ =	sdelay $0x3  }
0x37: {  	[smem:$0x3FB9] =	sst s10  }
0x38: {  	s10 =	sld [smem:$0x3FBA]  }
0x39: {  	_ = 	snop;
	(pc) =	sbr.ind lr, $3  }
0x3a: {  	_ = 	snop  }
0x3b: {  	_ = 	snop  }
0x3c: {  	p2 =	seq.s32 s10, $0x1;
	s10 =	sld [smem:$0x3FB9]  }
0x3d: {  	_ =	shalt  }
0x3e: {  	_ =	shalt  }
0x3f: {  	_ =	shalt  }
0x40: {  	_ =	shalt  }
0x41: {  	_ =	shalt  }
0x42: {  	_ =	shalt  }
0x43: {  	_ =	shalt  }
0x44: {  	_ =	shalt  }
0x45: {  	_ =	shalt  }
0x46: {  	_ =	shalt  }
0x47: {  	_ =	shalt  }
0x48: {  	_ =	shalt  }
0x49: {  	_ =	shalt  }
0x4a: {  	_ =	shalt  }
0x4b: {  	_ =	shalt  }
0x4c: {  	_ =	shalt  }
0x4d: {  	_ =	shalt  }
0x4e: {  	_ =	shalt  }
0x4f: {  	_ =	shalt  }
0x50: {  	_ =	shalt  }
0x51: {  	_ =	shalt  }
0x52: {  	_ =	shalt  }
0x53: {  	_ =	shalt  }
0x54: {  	_ =	shalt  }
0x55: {  	_ =	shalt  }
0x56: {  	_ =	shalt  }
0x57: {  	_ =	shalt  }
0x58: {  	_ =	shalt  }
0x59: {  	_ =	shalt  }
0x5a: {  	_ =	shalt  }
0x5b: {  	_ =	shalt  }
0x5c: {  	_ =	shalt  }
0x5d: {  	_ =	shalt  }
0x5e: {  	_ =	shalt  }
0x5f: {  	_ =	shalt  }
0x60: {  	_ =	shalt  }
0x61: {  	_ =	shalt  }
0x62: {  	_ =	shalt  }
0x63: {  	_ =	shalt  }
0x64: {  	_ =	shalt  }
0x65: {  	_ =	shalt  }
0x66: {  	_ =	shalt  }
0x67: {  	_ =	shalt  }
0x68: {  	_ =	shalt  }
0x69: {  	_ =	shalt  }
0x6a: {  	_ =	shalt  }
0x6b: {  	_ =	shalt  }
0x6c: {  	_ =	shalt  }
0x6d: {  	_ =	shalt  }
0x6e: {  	_ =	shalt  }
0x6f: {  	_ =	shalt  }
0x70: {  	_ =	shalt  }
0x71: {  	_ =	shalt  }
0x72: {  	_ =	shalt  }
0x73: {  	_ =	shalt  }
0x74: {  	_ =	shalt  }
0x75: {  	_ =	shalt  }
0x76: {  	_ =	shalt  }
0x77: {  	_ =	shalt  }
0x78: {  	_ =	shalt  }
0x79: {  	_ =	shalt  }
0x7a: {  	_ =	shalt  }
0x7b: {  	_ =	shalt  }
0x7c: {  	_ =	shalt  }
0x7d: {  	_ =	shalt  }
0x7e: {  	_ =	shalt  }
0x7f: {  	_ =	shalt  }
0x80: {  	_ =	shalt  }
0x81: {  	_ =	shalt  }
0x82: {  	_ =	shalt  }
0x83: {  	_ =	shalt  }
0x84: {  	_ =	shalt  }
0x85: {  	_ =	shalt  }
0x86: {  	_ =	shalt  }
0x87: {  	_ =	shalt  }
.Lfunc_end0:
.L_simem_size_0:
called_computation_lowered:
.L_overlay_start_0:
0x88: {  	s2 =	sld [smem:$0x3FD9]  }
0x89: {  	s3 =	sld [smem:$0x3FFE];
	_ =	sdelay $0x1  }
0x8a: {  	s1 =	srdreg.scid  }
0x8b: {  	s0 =	sand.u32 $0x1, s1  }
0x8c: {  	s16 =	sshll.u32 s0, $0xA;
	s2 =	sadd.s32 s3, s2  }
0x8d: {  	s2 =	sadd.s32 s2, s16  }
0x8e: {  	[smem:$0x3FC5] =	sst s2  }
0x8f: {  	_ = 	snop  }
0x90: {  	(tm) =	ssettm $0x1  }
0x91: {  	s17 =	sld [smem:$0x3FFB];
	_ =	sdelay $0x3  }
0x92: {  	_ =	strace s17  }
0x93: {  	s2 =	sld [smem:$0x3FFC];
	_ =	sdelay $0x3  }
0x94: {  	_ =	strace s2  }
0x95: {  	s2 =	sld [smem:$0x3FFD];
	_ =	sdelay $0x3  }
0x96: {  	_ =	strace s2  }
0x97: {  	_ =	strace $0x8FFFFFFF  }
0x98: {  	s18 =	sld [smem:$0x3FDB];
	_ =	sdelay $0x1  }
0x99: {  	s19 =	simm.s32 $_scs_section_size  }
0x9a: {  	s4 =	simm.s32 $_size__tile_overlayer_lowered;
	s5 =	simm.s32 $_tile_overlayer_lowered  }
0x9b: {  	s22 =	simm.s32 $0x1BFF;
	s21 =	sshll.u32 s5, $0x1;
	s2 =	sadd.s32 s19, s18  }
0x9c: {  	s6 =	simm.s32 $0x0;
	s20 =	sshll.u32 s4, $0x1;
	s4 =	sadd.s32 s21, s2  }
0x9d: {  	[timem:s6], [sflag:s22] =	dma.local [hbm:s4], s20  }
0x9e: {  	_ =	swait.ge [sflag:s22], s20  }
0x9f: {  	s3 =	ssub.s32 $0x0, s20;
	[sflag:s22] =	ssyncset.done $0x0  }
0xa0: {  	[sflag:s22] =	ssyncadd.s32 s3;
	_ =	sdelay $0x1  }
0xa1: {  	s23 =	simm.s32 $0x1B8B  }
0xa2: {  	_ =	swait.ge [sflag:s23], $0x1  }
0xa3: {  	[sflag:s23] =	ssyncset.done $0x0  }
0xa4: {  	s25 =	simm.s32 $0x1B8E;
	s24 =	sld [smem:$0x3FFE];
	[sflag:s23] =	ssyncadd.s32 $0xFFFFFFFF  }
0xa5: {  	s26 =	simm.s32 $execute0_lowered;
	[smem:$0x3FD2] =	sst s25  }
0xa6: {  	s4 =	sshll.u32 s26, $0x1;
	_ =	strace $0x80000046;
	[dreg:$0x1] =	wrdreg $0xFFFFFFFF  }
0xa7: {  	s28 =	simm.s32 $_size_execute0_lowered;
	s2 =	sadd.s32 s2, s4;
	[dreg:$0x0] =	wrdreg $0x0  }
0xa8: {  	s4 =	sshll.u32 s28, $0x1;
	[dreg:$0x2] =	wrdreg s2  }
0xa9: {  	[dreg:$0x3] =	wrdreg s4  }
0xaa: {  	[dreg:$0x4] =	wrdreg $0xC0  }
0xab: {  	_ =	task [dreg:s6], $0x5FFFF  }
0xac: {  	[dreg:$0x1] =	wrdreg $0xFFFFFFFF  }
0xad: {  	[dreg:$0x0] =	wrdreg $0x60  }
0xae: {  	[dreg:$0x2] =	wrdreg s24  }
0xaf: {  	[dreg:$0x3] =	wrdreg $0x9  }
0xb0: {  	_ =	task.clear_ibuf [dreg:s6], $0x4FFFF;
	_ =	strace $0x90000046  }
0xb1: {  	s29 =	simm.s32 $0x9;
	_ =	strace $0x80000048  }
0xb2: {  	_ =	swait.ge [sflag:s29], $0x1  }
0xb3: {  	[sflag:s29] =	ssyncadd.s32 $0xFFFFFFFF  }
0xb4: {  	_ =	strace $0x90000048  }
0xb5: {  	_ =	sfence  }
0xb6: {  	s30 =	sld [smem:$0x0];
	_ =	sdelay $0x2  }
0xb7: {  	s31 =	sshll.u32 s1, $0xD;
	s1 =	sshrl.u32 s1, $0x2  }
0xb8: {  	s3 =	sand.u32 $0x4000, s31;
	s1 =	sadd.s32 s1, s30  }
0xb9: {  	s0 =	sor.u32 s3, s0;
	s1 =	sshll.u32 s1, $0x11  }
0xba: {  	s0 =	sor.u32 s1, s0  }
0xbb: {  	s0 =	sadd.s32 $0x8F2B, s0  }
0xbc: {  	[sflag:s0] =	ssyncadd.remote.s32 $0x1  }
0xbd: {  	_ =	sfence.sel $0xFFFF  }
0xbe: {  	[dreg:$0x0] =	wrdreg $0xFFFFFFFF;
	(pc) =	sbr.abs _section_cstart, $3  }
0xbf: {  	[dreg:$0x1] =	wrdreg $0xFFFFFFFF  }
0xc0: {  	_ =	task.clear_ibuf [dreg:s6], $0x2FFFF;
	_ =	strace $0x9FFFFFFF  }
0xc1: {  	(tm) =	ssettm $0x7FFFFFFF  }
tec
execute0_lowered:
.L_overlay_start_1:
0x0: {  	(tag) =	ssettag $0x1  }
0x1: {  	s0 =	srdreg.scid;
	s2 =	stileid.u32  }
0x2: {  	s1 =	rddreg [dreg:$0x0];
	s18 =	simm.s32 $0x4;
	s19 =	simm.s32 $0x2780  }
0x3: {  	s20 =	simm.s32 $0x2710;
	s21 =	simm.s32 $0x9E00;
	s28 =	simm.s32 $0xED00  }
0x4: {  	s29 =	simm.s32 $0x16380;
	s0 =	sand.u32 $0x1, s0;
	s3 =	sshll.u32 s2, $0x1  }
0x5: {  	s30 =	simm.s32 $0x1;
	s31 =	simm.s32 $0x18B00;
	s3 =	sor.u32 s0, s3  }
0x6: {  	s2 =	simm.s32 $0x0;
	s0 =	ssub.s32 $0x2, s0;
	s3 =	smul.u32 $0x2710, s3  }
0x7: {  	s4 =	sadd.s32 $0x14000, s1;
	[smem:$0x7FF] =	sst s2;
	s7 =	sshrl.u32 s0, $0x1  }
0x8: {  	_ =	strace $0x80000047;
	s0 =	ssub.s32 s0, s7;
	s5 =	sshrl.u32 s3, $0x3  }
0x9: {  	s3 =	sadd.s32 $0x44E00, s1;
	s17 =	smax.u32 s0, $0x1;
	s0 =	simm.s32 $0x3  }
0xa: {  	s6 =	sadd.s32 s5, s1;
	s1 =	sadd.s32 $0x684E00, s1;
	s24 =	sadd.s32 s4, s5  }
0xb: {  	s12 =	sadd.s32 $0x9C40, s5;
	s26 =	sadd.s32 $0x13880, s5;
	s15 =	sadd.s32 $0x1D4C0, s5  }
0xc: {  	s22 =	sadd.s32 $0xA200, s6;
	s23 =	sadd.s32 $0x400, s6;
	[dreg:$0x4] =	wrdreg s24  }
0xd: {  	s25 =	sadd.s32 s4, s12;
	s8 =	sadd.s32 $0x6B5C00, s6;
	s9 =	sadd.s32 s4, s26  }
0xe: {  	s10 =	sadd.s32 s1, s5;
	s11 =	sadd.s32 s4, s15;
	s12 =	sadd.s32 s1, s12  }
0xf: {  	s5 =	sadd.s32 $0x27100, s5;
	s14 =	sadd.s32 s1, s26;
	[dreg:$0x2] =	wrdreg s22  }
0x10: {  	s15 =	sadd.s32 s1, s15;
	s24 =	simm.s32 $0xC580;
	[dreg:$0x3] =	wrdreg s23  }
0x11: {  	s26 =	simm.s32 $0x7680;
	[dreg:$0x5] =	wrdreg s25;
	s13 =	sadd.s32 s4, s5  }
0x12: {  	s16 =	sadd.s32 s1, s5;
	s22 =	simm.s32 $0x11480;
	s23 =	simm.s32 $0x4F00  }
0x13: {  	s25 =	simm.s32 $0x13C00;
	s1 =	simm.s32 $0x2;
	s4 =	simm.s32 $0x0  }
.LBB2_1:
0x14: {  	s5 =	rddreg [dreg:$0x2]  }
0x15: {  	[tilespmem:s2], [sflag:$0x4] =	stream.linear.gather [hbm4b:s5+s2], $0x2710, $0x38;
	[tilespmem:$0x1B280] =	vst v63  }
0x16: {  	_ =	swait.ge [sflag:s18], $0x2710  }
0x17: {  	[sflag:s18] =	ssyncset.done $0x0  }
0x18: {  	s7 =	rddreg [dreg:$0x3];
	[sflag:s18] =	ssyncadd.s32 $0xFFFFD8F0  }
0x19: {  	[tilespmem:s19], [sflag:$0x4] =	stream.linear.gather [hbm4b:s7+s2], $0x2710, $0x38;
	[tilespmem:$0x1B280] =	vst v63  }
0x1a: {  	_ =	swait.ge [sflag:s18], $0x2710  }
0x1b: {  	[sflag:s18] =	ssyncset.done $0x0  }
0x1c: {  	s5 =	simm.s32 $0x0;
	[sflag:s18] =	ssyncadd.s32 $0xFFFFD8F0  }
0x1d: {  	v0 =	vld [tilespmem:s5+$0x2780]  }
0x1e: {  	v1 =	vld [tilespmem:s5+$0x0];
	_ =	sdelay $0x2  }
0x1f: {  	s6 =	simm.s32 $0x40  }
.LBB2_2:
0x20: {  	s7 =	sshra.s32 s6, $0x2;
	p0 =	sne.s32 s6, $0x9C00;
	s6 =	sadd.s32 $0x40, s6;
	v2 =	vshrl.u32 v0, $0x7;
	v3 =	vmov v0  }
.Ltmp0:
0x21: {  	v0 =	vld [tilespmem:s7+$0x2780];
	v2 =	vmul.u32 $0xA0000, v2;
	v4 =	vshll.u32 v1, $0x6;
	(pc) =	sbr.rel @p0 .LBB2_2-.Ltmp0, $4  }
0x22: {  	v1 =	vld [tilespmem:s7+$0x0];
	v4 =	vand.u32 $0xFFFFFF80, v4  }
0x23: {  	v3 =	vand.u32 $0x7F, v3;
	v2 =	vadd.s32 v4, v2  }
0x24: {  	v2 =	vor.u32 v3, v2  }
0x25: {  	[tilespmem:s5+$0x9E00] =	vst v2;
	s5 =	smov.u32 s7  }
0x26: {  	v2 =	vshrl.u32 v0, $0x7  }
0x27: {  	v2 =	vmul.u32 $0xA0000, v2;
	v1 =	vshll.u32 v1, $0x6  }
0x28: {  	v1 =	vand.u32 $0xFFFFFF80, v1  }
0x29: {  	v0 =	vand.u32 $0x7F, v0;
	v1 =	vadd.s32 v1, v2  }
0x2a: {  	v0 =	vor.u32 v0, v1  }
0x2b: {  	[tilespmem:s5+$0x9E00] =	vst v0  }
0x2c: {  	[tilespmem:s22], [sflag:$0x1] =	stream.indirect.gather [hbm4b:s3+s20], $0x1, s21, s20, $0xb8;
	[tilespmem:$0x1B280] =	vst v63  }
0x2d: {  	s7 =	simm.s32 $0x0;
	s6 =	rddreg [dreg:$0x4]  }
0x2e: {  	[tilespmem:s23], [sflag:$0x4] =	stream.linear.gather [hbm4b:s6+s7], $0x2710, $0x38;
	[tilespmem:$0x1B280] =	vst v63  }
0x2f: {  	_ =	swait.ge [sflag:s18], $0x2710  }
0x30: {  	[sflag:s18] =	ssyncset.done $0x0  }
0x31: {  	s5 =	simm.s32 $0x0;
	[sflag:s18] =	ssyncadd.s32 $0xFFFFD8F0  }
0x32: {  	v0 =	vld [tilespmem:s5+$0x4F00]  }
0x33: {  	v1 =	vld [tilespmem:s5+$0x0];
	_ =	sdelay $0x2  }
0x34: {  	s6 =	simm.s32 $0x40  }
.LBB2_4:
0x35: {  	s7 =	sshra.s32 s6, $0x2;
	p0 =	sne.s32 s6, $0x9C00;
	s6 =	sadd.s32 $0x40, s6;
	v2 =	vshrl.u32 v0, $0x7;
	v3 =	vmov v0  }
.Ltmp1:
0x36: {  	v0 =	vld [tilespmem:s7+$0x4F00];
	v2 =	vmul.u32 $0xA0000, v2;
	v4 =	vshll.u32 v1, $0x6;
	(pc) =	sbr.rel @p0 .LBB2_4-.Ltmp1, $4  }
0x37: {  	v1 =	vld [tilespmem:s7+$0x0];
	v4 =	vand.u32 $0xFFFFFF80, v4  }
0x38: {  	v3 =	vand.u32 $0x7F, v3;
	v2 =	vadd.s32 v4, v2  }
0x39: {  	v2 =	vor.u32 v3, v2  }
0x3a: {  	[tilespmem:s5+$0xC580] =	vst v2;
	s5 =	smov.u32 s7  }
0x3b: {  	v2 =	vshrl.u32 v0, $0x7  }
0x3c: {  	v2 =	vmul.u32 $0xA0000, v2;
	v1 =	vshll.u32 v1, $0x6  }
0x3d: {  	v1 =	vand.u32 $0xFFFFFF80, v1  }
0x3e: {  	v0 =	vand.u32 $0x7F, v0;
	v1 =	vadd.s32 v1, v2  }
0x3f: {  	v0 =	vor.u32 v0, v1  }
0x40: {  	[tilespmem:s5+$0xC580] =	vst v0  }
0x41: {  	[tilespmem:s25], [sflag:$0x2] =	stream.indirect.gather [hbm4b:s3+s20], $0x1, s24, s20, $0xb8;
	[tilespmem:$0x1B280] =	vst v63  }
0x42: {  	s7 =	simm.s32 $0x0;
	s6 =	rddreg [dreg:$0x5]  }
0x43: {  	[tilespmem:s26], [sflag:$0x4] =	stream.linear.gather [hbm4b:s6+s7], $0x2710, $0x38;
	[tilespmem:$0x1B280] =	vst v63  }
0x44: {  	_ =	swait.ge [sflag:s18], $0x2710  }
0x45: {  	[sflag:s18] =	ssyncset.done $0x0  }
0x46: {  	s5 =	simm.s32 $0x0;
	[sflag:s18] =	ssyncadd.s32 $0xFFFFD8F0  }
0x47: {  	v0 =	vld [tilespmem:s5+$0x7680]  }
0x48: {  	v1 =	vld [tilespmem:s5+$0x0];
	_ =	sdelay $0x2  }
0x49: {  	s6 =	simm.s32 $0x40  }
.LBB2_6:
0x4a: {  	s7 =	sshra.s32 s6, $0x2;
	p0 =	sne.s32 s6, $0x9C00;
	s6 =	sadd.s32 $0x40, s6;
	v2 =	vshrl.u32 v0, $0x7;
	v3 =	vmov v0  }
.Ltmp2:
0x4b: {  	v0 =	vld [tilespmem:s7+$0x7680];
	v2 =	vmul.u32 $0xA0000, v2;
	v4 =	vshll.u32 v1, $0x6;
	(pc) =	sbr.rel @p0 .LBB2_6-.Ltmp2, $4  }
0x4c: {  	v1 =	vld [tilespmem:s7+$0x0];
	v4 =	vand.u32 $0xFFFFFF80, v4  }
0x4d: {  	v3 =	vand.u32 $0x7F, v3;
	v2 =	vadd.s32 v4, v2  }
0x4e: {  	v2 =	vor.u32 v3, v2  }
0x4f: {  	[tilespmem:s5+$0xED00] =	vst v2;
	s5 =	smov.u32 s7  }
0x50: {  	v2 =	vshrl.u32 v0, $0x7  }
0x51: {  	v2 =	vmul.u32 $0xA0000, v2;
	v1 =	vshll.u32 v1, $0x6  }
0x52: {  	v1 =	vand.u32 $0xFFFFFF80, v1  }
0x53: {  	v0 =	vand.u32 $0x7F, v0;
	v1 =	vadd.s32 v1, v2  }
0x54: {  	v0 =	vor.u32 v0, v1  }
0x55: {  	[tilespmem:s5+$0xED00] =	vst v0  }
0x56: {  	[tilespmem:s29], [sflag:$0x3] =	stream.indirect.gather [hbm4b:s3+s20], $0x1, s28, s20, $0xb8;
	[tilespmem:$0x1B280] =	vst v63  }
0x57: {  	_ =	swait.ge [sflag:s30], $0x2710  }
0x58: {  	[sflag:s30] =	ssyncset.done $0x0  }
0x59: {  	s5 =	simm.s32 $0x0;
	[sflag:s30] =	ssyncadd.s32 $0xFFFFD8F0  }
0x5a: {  	v1 =	vld [tilespmem:s5+$0x0]  }
0x5b: {  	s6 =	simm.s32 $0x40;
	v0 =	vld [tilespmem:s5+$0x11480]  }
.LBB2_8:
0x5c: {  	_ = 	snop  }
0x5d: {  	p0 =	sne.s32 s6, $0x9C00  }
.Ltmp3:
0x5e: {  	_ = 	snop;
	(pc) =	sbr.rel @p0 .LBB2_8-.Ltmp3, $4  }
0x5f: {  	v2 =	vand.u32 $0x1, v1  }
0x60: {  	s7 =	sshra.s32 s6, $0x2;
	v3 =	vand.u32 $0xFFFF0000, v0;
	vm0 =	veq.s32 v2, $0x0;
	v2 =	vshll.u32 v0, $0x10  }
0x61: {  	v1 =	vld [tilespmem:s7+$0x0];
	v2 =	vsel vm0, v2, v3  }
0x62: {  	s6 =	sadd.s32 $0x40, s6;
	v0 =	vld [tilespmem:s7+$0x11480];
	[tilespmem:s5+$0x18B00] =	vst v2;
	s5 =	smov.u32 s7  }
0x63: {  	_ =	sdelay $0x2  }
0x64: {  	v1 =	vand.u32 $0x1, v1  }
0x65: {  	v2 =	vand.u32 $0xFFFF0000, v0;
	vm0 =	veq.s32 v1, $0x0;
	v0 =	vshll.u32 v0, $0x10  }
0x66: {  	v0 =	vsel vm0, v0, v2  }
0x67: {  	s7 =	simm.s32 $0x0;
	[tilespmem:s5+$0x18B00] =	vst v0  }
0x68: {  	[hbm4b:s8+s7] =	stream.linear.scatter [tilespmem:s31], [sflag:$0x4], $0x2710, $0x38;
	[tilespmem:$0x1B280] =	vst v63  }
0x69: {  	_ =	swait.ge [sflag:s18], $0x2710  }
0x6a: {  	[sflag:s18] =	ssyncset.done $0x0  }
0x6b: {  	[sflag:s18] =	ssyncadd.s32 $0xFFFFD8F0  }
0x6c: {  	[tilespmem:s19], [sflag:$0x4] =	stream.linear.gather [hbm4b:s9+s7], $0x2710, $0x38;
	[tilespmem:$0x1B280] =	vst v63  }
0x6d: {  	_ =	swait.ge [sflag:s18], $0x2710  }
0x6e: {  	[sflag:s18] =	ssyncset.done $0x0  }
0x6f: {  	s5 =	simm.s32 $0x0;
	[sflag:s18] =	ssyncadd.s32 $0xFFFFD8F0  }
0x70: {  	v0 =	vld [tilespmem:s5+$0x2780]  }
0x71: {  	v1 =	vld [tilespmem:s5+$0x0];
	_ =	sdelay $0x2  }
0x72: {  	s6 =	simm.s32 $0x40  }
.LBB2_10:
0x73: {  	s7 =	sshra.s32 s6, $0x2;
	p0 =	sne.s32 s6, $0x9C00;
	s6 =	sadd.s32 $0x40, s6;
	v2 =	vshrl.u32 v0, $0x7;
	v3 =	vmov v0  }
.Ltmp4:
0x74: {  	v0 =	vld [tilespmem:s7+$0x2780];
	v2 =	vmul.u32 $0xA0000, v2;
	v4 =	vshll.u32 v1, $0x6;
	(pc) =	sbr.rel @p0 .LBB2_10-.Ltmp4, $4  }
0x75: {  	v1 =	vld [tilespmem:s7+$0x0];
	v4 =	vand.u32 $0xFFFFFF80, v4  }
0x76: {  	v3 =	vand.u32 $0x7F, v3;
	v2 =	vadd.s32 v4, v2  }
0x77: {  	v2 =	vor.u32 v3, v2  }
0x78: {  	[tilespmem:s5+$0x9E00] =	vst v2;
	s5 =	smov.u32 s7  }
0x79: {  	v2 =	vshrl.u32 v0, $0x7  }
0x7a: {  	v2 =	vmul.u32 $0xA0000, v2;
	v1 =	vshll.u32 v1, $0x6  }
0x7b: {  	v1 =	vand.u32 $0xFFFFFF80, v1  }
0x7c: {  	v0 =	vand.u32 $0x7F, v0;
	v1 =	vadd.s32 v1, v2  }
0x7d: {  	v0 =	vor.u32 v0, v1  }
0x7e: {  	[tilespmem:s5+$0x9E00] =	vst v0  }
0x7f: {  	[tilespmem:s22], [sflag:$0x1] =	stream.indirect.gather [hbm4b:s3+s20], $0x1, s21, s20, $0xb8;
	[tilespmem:$0x1B280] =	vst v63  }
0x80: {  	_ =	swait.ge [sflag:s1], $0x2710  }
0x81: {  	[sflag:s1] =	ssyncset.done $0x0  }
0x82: {  	s5 =	simm.s32 $0x0;
	[sflag:s1] =	ssyncadd.s32 $0xFFFFD8F0  }
0x83: {  	v1 =	vld [tilespmem:s5+$0x0]  }
0x84: {  	s6 =	simm.s32 $0x40;
	v0 =	vld [tilespmem:s5+$0x13C00]  }
.LBB2_12:
0x85: {  	_ = 	snop  }
0x86: {  	p0 =	sne.s32 s6, $0x9C00  }
.Ltmp5:
0x87: {  	_ = 	snop;
	(pc) =	sbr.rel @p0 .LBB2_12-.Ltmp5, $4  }
0x88: {  	v2 =	vand.u32 $0x1, v1  }
0x89: {  	s7 =	sshra.s32 s6, $0x2;
	v3 =	vand.u32 $0xFFFF0000, v0;
	vm0 =	veq.s32 v2, $0x0;
	v2 =	vshll.u32 v0, $0x10  }
0x8a: {  	v1 =	vld [tilespmem:s7+$0x0];
	v2 =	vsel vm0, v2, v3  }
0x8b: {  	s6 =	sadd.s32 $0x40, s6;
	v0 =	vld [tilespmem:s7+$0x13C00];
	[tilespmem:s5+$0x18B00] =	vst v2;
	s5 =	smov.u32 s7  }
0x8c: {  	_ =	sdelay $0x2  }
0x8d: {  	v1 =	vand.u32 $0x1, v1  }
0x8e: {  	v2 =	vand.u32 $0xFFFF0000, v0;
	vm0 =	veq.s32 v1, $0x0;
	v0 =	vshll.u32 v0, $0x10  }
0x8f: {  	v0 =	vsel vm0, v0, v2  }
0x90: {  	s7 =	simm.s32 $0x0;
	[tilespmem:s5+$0x18B00] =	vst v0  }
0x91: {  	[hbm4b:s10+s7] =	stream.linear.scatter [tilespmem:s31], [sflag:$0x4], $0x2710, $0x38;
	[tilespmem:$0x1B280] =	vst v63  }
0x92: {  	_ =	swait.ge [sflag:s18], $0x2710  }
0x93: {  	[sflag:s18] =	ssyncset.done $0x0  }
0x94: {  	[sflag:s18] =	ssyncadd.s32 $0xFFFFD8F0  }
0x95: {  	[tilespmem:s23], [sflag:$0x4] =	stream.linear.gather [hbm4b:s11+s7], $0x2710, $0x38;
	[tilespmem:$0x1B280] =	vst v63  }
0x96: {  	_ =	swait.ge [sflag:s18], $0x2710  }
0x97: {  	[sflag:s18] =	ssyncset.done $0x0  }
0x98: {  	s5 =	simm.s32 $0x0;
	[sflag:s18] =	ssyncadd.s32 $0xFFFFD8F0  }
0x99: {  	v0 =	vld [tilespmem:s5+$0x4F00]  }
0x9a: {  	v1 =	vld [tilespmem:s5+$0x0];
	_ =	sdelay $0x2  }
0x9b: {  	s6 =	simm.s32 $0x40  }
.LBB2_14:
0x9c: {  	s7 =	sshra.s32 s6, $0x2;
	p0 =	sne.s32 s6, $0x9C00;
	s6 =	sadd.s32 $0x40, s6;
	v2 =	vshrl.u32 v0, $0x7;
	v3 =	vmov v0  }
.Ltmp6:
0x9d: {  	v0 =	vld [tilespmem:s7+$0x4F00];
	v2 =	vmul.u32 $0xA0000, v2;
	v4 =	vshll.u32 v1, $0x6;
	(pc) =	sbr.rel @p0 .LBB2_14-.Ltmp6, $4  }
0x9e: {  	v1 =	vld [tilespmem:s7+$0x0];
	v4 =	vand.u32 $0xFFFFFF80, v4  }
0x9f: {  	v3 =	vand.u32 $0x7F, v3;
	v2 =	vadd.s32 v4, v2  }
0xa0: {  	v2 =	vor.u32 v3, v2  }
0xa1: {  	[tilespmem:s5+$0xC580] =	vst v2;
	s5 =	smov.u32 s7  }
0xa2: {  	v2 =	vshrl.u32 v0, $0x7  }
0xa3: {  	v2 =	vmul.u32 $0xA0000, v2;
	v1 =	vshll.u32 v1, $0x6  }
0xa4: {  	v1 =	vand.u32 $0xFFFFFF80, v1  }
0xa5: {  	v0 =	vand.u32 $0x7F, v0;
	v1 =	vadd.s32 v1, v2  }
0xa6: {  	v0 =	vor.u32 v0, v1  }
0xa7: {  	[tilespmem:s5+$0xC580] =	vst v0  }
0xa8: {  	[tilespmem:s25], [sflag:$0x2] =	stream.indirect.gather [hbm4b:s3+s20], $0x1, s24, s20, $0xb8;
	[tilespmem:$0x1B280] =	vst v63  }
0xa9: {  	_ =	swait.ge [sflag:s0], $0x2710  }
0xaa: {  	[sflag:s0] =	ssyncset.done $0x0  }
0xab: {  	s5 =	simm.s32 $0x0;
	[sflag:s0] =	ssyncadd.s32 $0xFFFFD8F0  }
0xac: {  	v1 =	vld [tilespmem:s5+$0x0]  }
0xad: {  	s6 =	simm.s32 $0x40;
	v0 =	vld [tilespmem:s5+$0x16380]  }
.LBB2_16:
0xae: {  	_ = 	snop  }
0xaf: {  	p0 =	sne.s32 s6, $0x9C00  }
.Ltmp7:
0xb0: {  	_ = 	snop;
	(pc) =	sbr.rel @p0 .LBB2_16-.Ltmp7, $4  }
0xb1: {  	v2 =	vand.u32 $0x1, v1  }
0xb2: {  	s7 =	sshra.s32 s6, $0x2;
	v3 =	vand.u32 $0xFFFF0000, v0;
	vm0 =	veq.s32 v2, $0x0;
	v2 =	vshll.u32 v0, $0x10  }
0xb3: {  	v1 =	vld [tilespmem:s7+$0x0];
	v2 =	vsel vm0, v2, v3  }
0xb4: {  	s6 =	sadd.s32 $0x40, s6;
	v0 =	vld [tilespmem:s7+$0x16380];
	[tilespmem:s5+$0x18B00] =	vst v2;
	s5 =	smov.u32 s7  }
0xb5: {  	_ =	sdelay $0x2  }
0xb6: {  	v1 =	vand.u32 $0x1, v1  }
0xb7: {  	v2 =	vand.u32 $0xFFFF0000, v0;
	vm0 =	veq.s32 v1, $0x0;
	v0 =	vshll.u32 v0, $0x10  }
0xb8: {  	v0 =	vsel vm0, v0, v2  }
0xb9: {  	s7 =	simm.s32 $0x0;
	[tilespmem:s5+$0x18B00] =	vst v0  }
0xba: {  	[hbm4b:s12+s7] =	stream.linear.scatter [tilespmem:s31], [sflag:$0x4], $0x2710, $0x38;
	[tilespmem:$0x1B280] =	vst v63  }
0xbb: {  	_ =	swait.ge [sflag:s18], $0x2710  }
0xbc: {  	[sflag:s18] =	ssyncset.done $0x0  }
0xbd: {  	[sflag:s18] =	ssyncadd.s32 $0xFFFFD8F0  }
0xbe: {  	[tilespmem:s26], [sflag:$0x4] =	stream.linear.gather [hbm4b:s13+s7], $0x2710, $0x38;
	[tilespmem:$0x1B280] =	vst v63  }
0xbf: {  	_ =	swait.ge [sflag:s18], $0x2710  }
0xc0: {  	[sflag:s18] =	ssyncset.done $0x0  }
0xc1: {  	s5 =	simm.s32 $0x0;
	[sflag:s18] =	ssyncadd.s32 $0xFFFFD8F0  }
0xc2: {  	v0 =	vld [tilespmem:s5+$0x7680]  }
0xc3: {  	v1 =	vld [tilespmem:s5+$0x0];
	_ =	sdelay $0x2  }
0xc4: {  	s6 =	simm.s32 $0x40  }
.LBB2_18:
0xc5: {  	s7 =	sshra.s32 s6, $0x2;
	p0 =	sne.s32 s6, $0x9C00;
	s6 =	sadd.s32 $0x40, s6;
	v2 =	vshrl.u32 v0, $0x7;
	v3 =	vmov v0  }
.Ltmp8:
0xc6: {  	v0 =	vld [tilespmem:s7+$0x7680];
	v2 =	vmul.u32 $0xA0000, v2;
	v4 =	vshll.u32 v1, $0x6;
	(pc) =	sbr.rel @p0 .LBB2_18-.Ltmp8, $4  }
0xc7: {  	v1 =	vld [tilespmem:s7+$0x0];
	v4 =	vand.u32 $0xFFFFFF80, v4  }
0xc8: {  	v3 =	vand.u32 $0x7F, v3;
	v2 =	vadd.s32 v4, v2  }
0xc9: {  	v2 =	vor.u32 v3, v2  }
0xca: {  	[tilespmem:s5+$0xED00] =	vst v2;
	s5 =	smov.u32 s7  }
0xcb: {  	v2 =	vshrl.u32 v0, $0x7  }
0xcc: {  	v2 =	vmul.u32 $0xA0000, v2;
	v1 =	vshll.u32 v1, $0x6  }
0xcd: {  	v1 =	vand.u32 $0xFFFFFF80, v1  }
0xce: {  	v0 =	vand.u32 $0x7F, v0;
	v1 =	vadd.s32 v1, v2  }
0xcf: {  	v0 =	vor.u32 v0, v1  }
0xd0: {  	[tilespmem:s5+$0xED00] =	vst v0  }
0xd1: {  	[tilespmem:s29], [sflag:$0x3] =	stream.indirect.gather [hbm4b:s3+s20], $0x1, s28, s20, $0xb8;
	[tilespmem:$0x1B280] =	vst v63  }
0xd2: {  	_ =	swait.ge [sflag:s30], $0x2710  }
0xd3: {  	[sflag:s30] =	ssyncset.done $0x0  }
0xd4: {  	s5 =	simm.s32 $0x0;
	[sflag:s30] =	ssyncadd.s32 $0xFFFFD8F0  }
0xd5: {  	v1 =	vld [tilespmem:s5+$0x0]  }
0xd6: {  	s6 =	simm.s32 $0x40;
	v0 =	vld [tilespmem:s5+$0x11480]  }
.LBB2_20:
0xd7: {  	_ = 	snop  }
0xd8: {  	p0 =	sne.s32 s6, $0x9C00  }
.Ltmp9:
0xd9: {  	_ = 	snop;
	(pc) =	sbr.rel @p0 .LBB2_20-.Ltmp9, $4  }
0xda: {  	v2 =	vand.u32 $0x1, v1  }
0xdb: {  	s7 =	sshra.s32 s6, $0x2;
	v3 =	vand.u32 $0xFFFF0000, v0;
	vm0 =	veq.s32 v2, $0x0;
	v2 =	vshll.u32 v0, $0x10  }
0xdc: {  	v1 =	vld [tilespmem:s7+$0x0];
	v2 =	vsel vm0, v2, v3  }
0xdd: {  	s6 =	sadd.s32 $0x40, s6;
	v0 =	vld [tilespmem:s7+$0x11480];
	[tilespmem:s5+$0x18B00] =	vst v2;
	s5 =	smov.u32 s7  }
0xde: {  	_ =	sdelay $0x2  }
0xdf: {  	v1 =	vand.u32 $0x1, v1  }
0xe0: {  	v2 =	vand.u32 $0xFFFF0000, v0;
	vm0 =	veq.s32 v1, $0x0;
	v0 =	vshll.u32 v0, $0x10  }
0xe1: {  	v0 =	vsel vm0, v0, v2  }
0xe2: {  	s7 =	simm.s32 $0x0;
	[tilespmem:s5+$0x18B00] =	vst v0  }
0xe3: {  	[hbm4b:s14+s7] =	stream.linear.scatter [tilespmem:s31], [sflag:$0x4], $0x2710, $0x38;
	[tilespmem:$0x1B280] =	vst v63  }
0xe4: {  	_ =	swait.ge [sflag:s18], $0x2710  }
0xe5: {  	[sflag:s18] =	ssyncset.done $0x0  }
0xe6: {  	[sflag:s18] =	ssyncadd.s32 $0xFFFFD8F0  }
0xe7: {  	_ =	swait.ge [sflag:s1], $0x2710  }
0xe8: {  	[sflag:s1] =	ssyncset.done $0x0  }
0xe9: {  	s5 =	simm.s32 $0x0;
	[sflag:s1] =	ssyncadd.s32 $0xFFFFD8F0  }
0xea: {  	v1 =	vld [tilespmem:s5+$0x0]  }
0xeb: {  	s6 =	simm.s32 $0x40;
	v0 =	vld [tilespmem:s5+$0x13C00]  }
.LBB2_22:
0xec: {  	_ = 	snop  }
0xed: {  	p0 =	sne.s32 s6, $0x9C00  }
.Ltmp10:
0xee: {  	_ = 	snop;
	(pc) =	sbr.rel @p0 .LBB2_22-.Ltmp10, $4  }
0xef: {  	v2 =	vand.u32 $0x1, v1  }
0xf0: {  	s7 =	sshra.s32 s6, $0x2;
	v3 =	vand.u32 $0xFFFF0000, v0;
	vm0 =	veq.s32 v2, $0x0;
	v2 =	vshll.u32 v0, $0x10  }
0xf1: {  	v1 =	vld [tilespmem:s7+$0x0];
	v2 =	vsel vm0, v2, v3  }
0xf2: {  	s6 =	sadd.s32 $0x40, s6;
	v0 =	vld [tilespmem:s7+$0x13C00];
	[tilespmem:s5+$0x18B00] =	vst v2;
	s5 =	smov.u32 s7  }
0xf3: {  	_ =	sdelay $0x2  }
0xf4: {  	v1 =	vand.u32 $0x1, v1  }
0xf5: {  	v2 =	vand.u32 $0xFFFF0000, v0;
	vm0 =	veq.s32 v1, $0x0;
	v0 =	vshll.u32 v0, $0x10  }
0xf6: {  	v0 =	vsel vm0, v0, v2  }
0xf7: {  	s7 =	simm.s32 $0x0;
	[tilespmem:s5+$0x18B00] =	vst v0  }
0xf8: {  	[hbm4b:s15+s7] =	stream.linear.scatter [tilespmem:s31], [sflag:$0x4], $0x2710, $0x38;
	[tilespmem:$0x1B280] =	vst v63  }
0xf9: {  	_ =	swait.ge [sflag:s18], $0x2710  }
0xfa: {  	[sflag:s18] =	ssyncset.done $0x0  }
0xfb: {  	[sflag:s18] =	ssyncadd.s32 $0xFFFFD8F0  }
0xfc: {  	_ =	swait.ge [sflag:s0], $0x2710  }
0xfd: {  	[sflag:s0] =	ssyncset.done $0x0  }
0xfe: {  	s5 =	simm.s32 $0x0;
	[sflag:s0] =	ssyncadd.s32 $0xFFFFD8F0  }
0xff: {  	v1 =	vld [tilespmem:s5+$0x0]  }
0x100: {  	s6 =	simm.s32 $0x40;
	v0 =	vld [tilespmem:s5+$0x16380]  }
.LBB2_24:
0x101: {  	_ = 	snop  }
0x102: {  	p0 =	sne.s32 s6, $0x9C00  }
.Ltmp11:
0x103: {  	_ = 	snop;
	(pc) =	sbr.rel @p0 .LBB2_24-.Ltmp11, $4  }
0x104: {  	v2 =	vand.u32 $0x1, v1  }
0x105: {  	s7 =	sshra.s32 s6, $0x2;
	v3 =	vand.u32 $0xFFFF0000, v0;
	vm0 =	veq.s32 v2, $0x0;
	v2 =	vshll.u32 v0, $0x10  }
0x106: {  	v1 =	vld [tilespmem:s7+$0x0];
	v2 =	vsel vm0, v2, v3  }
0x107: {  	s6 =	sadd.s32 $0x40, s6;
	v0 =	vld [tilespmem:s7+$0x16380];
	[tilespmem:s5+$0x18B00] =	vst v2;
	s5 =	smov.u32 s7  }
0x108: {  	_ =	sdelay $0x2  }
0x109: {  	v1 =	vand.u32 $0x1, v1  }
0x10a: {  	s4 =	sadd.s32 $0x1, s4;
	v2 =	vand.u32 $0xFFFF0000, v0;
	vm0 =	veq.s32 v1, $0x0;
	v63 =	vshll.u32 v0, $0x10  }
0x10b: {  	p0 =	sne.s32 s4, s17;
	v0 =	vsel vm0, v63, v2  }
.Ltmp12:
0x10c: {  	[tilespmem:s5+$0x18B00] =	vst v0;
	(pc) =	sbr.rel @p0 .LBB2_1-.Ltmp12, $4  }
0x10d: {  	[hbm4b:s16+s2] =	stream.linear.scatter [tilespmem:s31], [sflag:$0x4], $0x2710, $0x38;
	[tilespmem:$0x1B280] =	vst v63  }
0x10e: {  	_ =	swait.ge [sflag:s18], $0x2710  }
0x10f: {  	[sflag:s18] =	ssyncset.done $0x0  }
0x110: {  	[sflag:s18] =	ssyncadd.s32 $0xFFFFD8F0  }
0x111: {  	_ =	sfence.sel $0x180000  }
0x112: {  	[bflag:$0x0] =	sbarrier.arrive $0xFFFF  }
0x113: {  	_ =	strace $0x90000047  }
0x114: {  	s0 =	stileid.u32;
	[bflag:$0x2] =	sbarrier.arrive $0xFFFF  }
0x115: {  	p0 =	sne.s32 s0, $0x0;
	s0 =	rddreg [dreg:$0x1]  }
0x116: {  	s0 =	sadd.s32 @!p0 $0x100000, s0  }
0x117: {  	[sflag:s0] =	ssyncadd.tile.s32 @!p0 $0x1;
	_ =	shalt  }
.Lfunc_end2:
_tile_overlayer_lowered:
.L_overlay_start_2:
0x118: {  	(tag) =	ssettag $0x2  }
0x119: {  	s0 =	rddreg [dreg:$0x0];
	s2 =	stileid.u32  }
0x11a: {  	s1 =	rddreg [dreg:$0x1];
	p0 =	sne.s32 s2, $0x0  }
0x11b: {  	s3 =	rddreg [dreg:$0x2];
	[bflag:$0x3] =	sbarrier.arrive $0xFFFF;
	s2 =	simm.s32 @!p0 $0x1C04  }
0x11c: {  	[timem:s3], [sflag:s2] =	dma.local @!p0 [hbm:s0], s1  }
0x11d: {  	s0 =	simm.s32 @!p0 $0x4  }
0x11e: {  	_ =	swait.ge @!p0 [sflag:s0], s1  }
0x11f: {  	s1 =	ssub.s32 @!p0 $0x0, s1;
	[sflag:s0] =	ssyncset.done @!p0 $0x0  }
0x120: {  	[sflag:s0] =	ssyncadd.s32 @!p0 s1  }
0x121: {  	[bflag:$0x3] =	sbarrier.arrive $0xFFFF  }
0x122: {  	_ =	shalt  }

</sc_bundles>
